<compile_context>
chip_gen: v7x
topology: tpu7x:2x2x1
jax: 0.10.2.dev20260603
libtpu: 0.0.44.dev20260713+nightly
codegen_flags: <defaults>
</compile_context>

<pallas_src>
import functools

import jax
import jax.numpy as jnp
from jax import lax
from jax.experimental import pallas as pl
from jax.experimental.pallas import tpu as pltpu
from jax.experimental.pallas import tpu_sc as plsc

N_NODES = 10000
N_EDGES = 160000
D_IN = 256
HID = 16
NCLS = 64

CHUNK = 128
NW = 32
CH_PER_TILE = 40
E_PAD = NW * CH_PER_TILE * CHUNK
CH_TOT = E_PAD // CHUNK
ACC_ROWS = 10240
ROWS_PER_TILE = ACC_ROWS // 16
TAB_ROWS = N_NODES + 16

_MESH = plsc.VectorSubcoreMesh(core_axis_name="c", subcore_axis_name="s")
_SC_PARAMS = pltpu.CompilerParams(use_tc_tiling_on_sc=False)




@functools.partial(
    pl.kernel,
    out_type=jax.ShapeDtypeStruct((2, ACC_ROWS, HID), jnp.float32),
    mesh=_MESH,
    scratch_types=[
        pltpu.VMEM((CH_PER_TILE, CHUNK), jnp.int32),
        pltpu.VMEM((CHUNK, HID), jnp.float32),
        pltpu.VMEM_SHARED((ACC_ROWS, HID), jnp.float32),
    ],
    compiler_params=_SC_PARAMS,
)
def _sc_degree(row_hbm, zeros_hbm, ones_hbm, out_hbm, idx_v, ones_v, acc_sh):
    c = lax.axis_index("c")
    s = lax.axis_index("s")
    wid = s * 2 + c
    pltpu.sync_copy(row_hbm.at[pl.ds(wid * CH_PER_TILE, CH_PER_TILE)], idx_v)
    pltpu.sync_copy(ones_hbm, ones_v)
    pltpu.sync_copy(zeros_hbm.at[pl.ds(s * ROWS_PER_TILE, ROWS_PER_TILE)],
                    acc_sh.at[pl.ds(s * ROWS_PER_TILE, ROWS_PER_TILE)])
    plsc.subcore_barrier()

    def body(j, carry):
        pltpu.sync_copy(ones_v, acc_sh.at[idx_v.at[j]], add=True)
        return carry

    lax.fori_loop(0, CH_PER_TILE, body, 0)
    plsc.subcore_barrier()
    pltpu.sync_copy(acc_sh.at[pl.ds(s * ROWS_PER_TILE, ROWS_PER_TILE)],
                    out_hbm.at[c].at[pl.ds(s * ROWS_PER_TILE, ROWS_PER_TILE)])




@functools.partial(
    pl.kernel,
    out_type=jax.ShapeDtypeStruct((2, ACC_ROWS, HID), jnp.float32),
    mesh=_MESH,
    scratch_types=[
        pltpu.VMEM((CH_PER_TILE, CHUNK), jnp.int32),
        pltpu.VMEM((CH_PER_TILE, CHUNK), jnp.int32),
        pltpu.VMEM((CHUNK, HID), jnp.float32),
        pltpu.VMEM_SHARED((ACC_ROWS, HID), jnp.float32),
        pltpu.SemaphoreType.DMA,
    ],
    compiler_params=_SC_PARAMS,
)
def _sc_edge_pass(row_hbm, col_hbm, tab_hbm, zeros_hbm, out_hbm,
                  rowi_v, coli_v, rows_v, acc_sh, sem):
    c = lax.axis_index("c")
    s = lax.axis_index("s")
    wid = s * 2 + c
    pltpu.sync_copy(row_hbm.at[pl.ds(wid * CH_PER_TILE, CH_PER_TILE)], rowi_v)
    pltpu.sync_copy(col_hbm.at[pl.ds(wid * CH_PER_TILE, CH_PER_TILE)], coli_v)
    pltpu.sync_copy(zeros_hbm.at[pl.ds(s * ROWS_PER_TILE, ROWS_PER_TILE)],
                    acc_sh.at[pl.ds(s * ROWS_PER_TILE, ROWS_PER_TILE)])
    plsc.subcore_barrier()

    def body(j, carry):
        pltpu.async_copy(tab_hbm.at[rowi_v.at[j]], rows_v, sem).wait()
        pltpu.sync_copy(rows_v, acc_sh.at[coli_v.at[j]], add=True)
        return carry

    lax.fori_loop(0, CH_PER_TILE, body, 0)
    plsc.subcore_barrier()
    pltpu.sync_copy(acc_sh.at[pl.ds(s * ROWS_PER_TILE, ROWS_PER_TILE)],
                    out_hbm.at[c].at[pl.ds(s * ROWS_PER_TILE, ROWS_PER_TILE)])



_BLK = 1000


def _tc_dense1_body(x_ref, w_ref, d0_ref, d1_ref, b1_ref,
                    a_ref, yt_ref, dinv_ref):
    deg = d0_ref[...] + d1_ref[...]
    dinv = jnp.where(deg > 0, lax.rsqrt(jnp.where(deg > 0, deg, 1.0)), 0.0)
    u = jnp.dot(x_ref[...], w_ref[...], preferred_element_type=jnp.float32)
    a_ref[...] = u[:, :HID] + b1_ref[...]
    yt_ref[...] = dinv * u[:, HID:]
    dinv_ref[...] = dinv


def _tc_dense1(x, wcat, d0, d1, b1):
    grid = (N_NODES // _BLK,)
    return pl.pallas_call(
        _tc_dense1_body,
        grid=grid,
        in_specs=[
            pl.BlockSpec((_BLK, D_IN), lambda i: (i, 0)),
            pl.BlockSpec((D_IN, 2 * HID), lambda i: (0, 0)),
            pl.BlockSpec((_BLK, HID), lambda i: (i, 0)),
            pl.BlockSpec((_BLK, HID), lambda i: (i, 0)),
            pl.BlockSpec((1, HID), lambda i: (0, 0)),
        ],
        out_specs=[
            pl.BlockSpec((_BLK, HID), lambda i: (i, 0)),
            pl.BlockSpec((_BLK, HID), lambda i: (i, 0)),
            pl.BlockSpec((_BLK, HID), lambda i: (i, 0)),
        ],
        out_shape=[
            jax.ShapeDtypeStruct((N_NODES, HID), jnp.float32),
            jax.ShapeDtypeStruct((N_NODES, HID), jnp.float32),
            jax.ShapeDtypeStruct((N_NODES, HID), jnp.float32),
        ],
    )(x, wcat, d0, d1, b1)


def _tc_mid_body(a_ref, s0_ref, s1_ref, dinv_ref, h_ref, ht_ref):
    dinv = dinv_ref[...]
    h = jnp.maximum(a_ref[...] - dinv * (s0_ref[...] + s1_ref[...]), 0.0)
    h_ref[...] = h
    ht_ref[...] = dinv * h


def _tc_mid(a, s0, s1, dinv):
    grid = (N_NODES // _BLK,)
    spec = pl.BlockSpec((_BLK, HID), lambda i: (i, 0))
    return pl.pallas_call(
        _tc_mid_body,
        grid=grid,
        in_specs=[spec, spec, spec, spec],
        out_specs=[spec, spec],
        out_shape=[
            jax.ShapeDtypeStruct((N_NODES, HID), jnp.float32),
            jax.ShapeDtypeStruct((N_NODES, HID), jnp.float32),
        ],
    )(a, s0, s1, dinv)


def _tc_out_body(h_ref, t0_ref, t1_ref, dinv_ref, w0_ref, w1_ref, b2_ref,
                 o_ref):
    tt = dinv_ref[...] * (t0_ref[...] + t1_ref[...])
    z = (jnp.dot(h_ref[...], w0_ref[...], preferred_element_type=jnp.float32)
         - jnp.dot(tt, w1_ref[...], preferred_element_type=jnp.float32)
         + b2_ref[...])
    m = jnp.max(z, axis=1, keepdims=True)
    e = jnp.exp(z - m)
    o_ref[...] = z - m - jnp.log(jnp.sum(e, axis=1, keepdims=True))


def _tc_out(h, t0, t1, dinv, w20, w21, b2):
    grid = (N_NODES // _BLK,)
    spec16 = pl.BlockSpec((_BLK, HID), lambda i: (i, 0))
    return pl.pallas_call(
        _tc_out_body,
        grid=grid,
        in_specs=[
            spec16, spec16, spec16, spec16,
            pl.BlockSpec((HID, NCLS), lambda i: (0, 0)),
            pl.BlockSpec((HID, NCLS), lambda i: (0, 0)),
            pl.BlockSpec((1, NCLS), lambda i: (0, 0)),
        ],
        out_specs=pl.BlockSpec((_BLK, NCLS), lambda i: (i, 0)),
        out_shape=jax.ShapeDtypeStruct((N_NODES, NCLS), jnp.float32),
    )(h, t0, t1, dinv, w20, w21, b2)




def kernel(x, edge_index, W1_0, W1_1, b1, W2_0, W2_1, b2):
    row = edge_index[0]
    col = edge_index[1]
    pad = jnp.full((E_PAD - N_EDGES,), N_NODES, dtype=jnp.int32)
    row2d = jnp.concatenate([row, pad]).reshape(CH_TOT, CHUNK)
    col2d = jnp.concatenate([col, pad]).reshape(CH_TOT, CHUNK)
    zeros_acc = jnp.zeros((ACC_ROWS, HID), jnp.float32)
    ones_src = jnp.ones((CHUNK, HID), jnp.float32)
    tab_pad = jnp.zeros((TAB_ROWS - N_NODES, HID), jnp.float32)

    d = _sc_degree(row2d, zeros_acc, ones_src)
    wcat = jnp.concatenate([W1_0, W1_1], axis=1)
    a, yt, dinv = _tc_dense1(x, wcat, d[0, :N_NODES], d[1, :N_NODES],
                             b1.reshape(1, HID))

    s = _sc_edge_pass(row2d, col2d, jnp.concatenate([yt, tab_pad]), zeros_acc)
    h, ht = _tc_mid(a, s[0, :N_NODES], s[1, :N_NODES], dinv)

    t = _sc_edge_pass(row2d, col2d, jnp.concatenate([ht, tab_pad]), zeros_acc)
    return _tc_out(h, t[0, :N_NODES], t[1, :N_NODES], dinv, W2_0, W2_1,
                   b2.reshape(1, NCLS))

# --- scband reference (transcript-rebuilt; emitter-appended) ---
"""Pipeline reference for scband-cheb-net-87488483820066 (READ-ONLY COPY).

The authoritative reference and input builder live on the scoring server;
editing this copy changes nothing except your own understanding.
"""

import jax, jax.numpy as jnp
import numpy as np

N = 10000
E = 160000
D_IN = 256
HID = 16
NCLS = 64


def setup_inputs(seed: int = 0) -> dict:
    key = jax.random.key(seed)
    ks = jax.random.split(key, 8)
    x = jax.random.normal(ks[0], (N, D_IN), dtype=jnp.float32)
    edge_index = jax.random.randint(ks[1], (2, E), 0, N, dtype=jnp.int32)
    # ChebConv K=2 -> two linear weights + bias per layer (PyG Linear: y = x @ W.T; store as [in, out])
    W1_0 = jax.random.normal(ks[2], (D_IN, HID), dtype=jnp.float32) * (1.0 / np.sqrt(D_IN))
    W1_1 = jax.random.normal(ks[3], (D_IN, HID), dtype=jnp.float32) * (1.0 / np.sqrt(D_IN))
    b1 = jnp.zeros((HID,), dtype=jnp.float32)
    W2_0 = jax.random.normal(ks[4], (HID, NCLS), dtype=jnp.float32) * (1.0 / np.sqrt(HID))
    W2_1 = jax.random.normal(ks[5], (HID, NCLS), dtype=jnp.float32) * (1.0 / np.sqrt(HID))
    b2 = jnp.zeros((NCLS,), dtype=jnp.float32)
    return {"x": x, "edge_index": edge_index, "W1_0": W1_0, "W1_1": W1_1, "b1": b1,
            "W2_0": W2_0, "W2_1": W2_1, "b2": b2}


def _cheb_conv(x, edge_index, W0, W1, b):
    # PyG ChebConv, K=2, normalization='sym', lambda_max=2.0:
    # L_hat = 2/lambda_max * (I - D^-1/2 A D^-1/2) - I = -D^-1/2 A D^-1/2 (zero diagonal)
    n = x.shape[0]
    row, col = edge_index[0], edge_index[1]
    ones = jnp.ones((edge_index.shape[1],), dtype=x.dtype)
    deg = jax.ops.segment_sum(ones, row, num_segments=n)
    dinv = jnp.where(deg > 0, jax.lax.rsqrt(jnp.where(deg > 0, deg, 1.0)), 0.0)
    norm = -(dinv[row] * dinv[col])
    # Tx_0 = x
    out = x @ W0
    # Tx_1 = L_hat @ x  via gather / scatter-add (aggregate at target = edge_index[1])
    Tx1 = jax.ops.segment_sum(x[row] * norm[:, None], col, num_segments=n)
    out = out + Tx1 @ W1 + b
    return out


def reference(x, edge_index, W1_0, W1_1, b1, W2_0, W2_1, b2):
    h = jax.nn.relu(_cheb_conv(x, edge_index, W1_0, W1_1, b1))
    # F.dropout with training=False -> identity (eval mode)
    h = _cheb_conv(h, edge_index, W2_0, W2_1, b2)
    return jax.nn.log_softmax(h, axis=1)

if __name__ == "__main__":
    import jax
    _d = setup_inputs()
    print(jax.jit(kernel)(*tuple(_d.values())))

</pallas_src>

<mosaic_0001>
#map = affine_map<(d0, d1) -> (0, 0)>
#map1 = affine_map<(d0, d1) -> (0, 0, 0)>
module attributes {stable_mosaic.version = 14 : i64} {
  func.func @_sc_degree(%arg0: i32, %arg1: i32, %arg2: memref<1280x128xi32, #tpu.memory_space<hbm>>, %arg3: memref<10240x16xf32, #tpu.memory_space<hbm>>, %arg4: memref<128x16xf32, #tpu.memory_space<hbm>>, %arg5: memref<2x10240x16xf32, #tpu.memory_space<hbm>>, %arg6: memref<40x128xi32, #tpu.memory_space<vmem>>, %arg7: memref<128x16xf32, #tpu.memory_space<vmem>>, %arg8: memref<10240x16xf32, #tpu.memory_space<vmem_shared>>) attributes {dimension_semantics = [#tpu.dimension_semantics<core_parallel>, #tpu.dimension_semantics<subcore_parallel>], iteration_bounds = array<i64: 2, 16>, scalar_prefetch = 0 : i64, scratch_operands = 3 : i64, tpu.core_type = #tpu.core_type<sc_vector_subcore>, window_params = [{transform_indices = #map}, {transform_indices = #map}, {transform_indices = #map}, {transform_indices = #map1}]} {
    %mul3A = arith.constant 2 : i32
    %mul3A_0 = arith.muli %arg1, %mul3A : i32
    %add3A = arith.addi %mul3A_0, %arg0 : i32
    %mul3A_1 = arith.constant 40 : i32
    %mul3A_2 = arith.muli %add3A, %mul3A_1 : i32
    "tpu.region"() ({
      %run_scoped3A = tpu.sem_alloc : memref<!tpu.dma_semaphore, #tpu.memory_space<semaphore_mem>>
      %dma_start3A = arith.constant 0 : i32
      %dma_start3A_17 = tpu.memref_slice %arg2[%mul3A_2, %dma_start3A] : memref<1280x128xi32, #tpu.memory_space<hbm>> -> memref<40x128xi32, #tpu.memory_space<hbm>>
      %dma_start3A_18 = arith.constant 0 : i32
      %dma_start3A_19 = tpu.memref_slice %arg2[%mul3A_2, %dma_start3A_18] : memref<1280x128xi32, #tpu.memory_space<hbm>> -> memref<40x128xi32, #tpu.memory_space<hbm>>
      tpu.enqueue_dma source(%dma_start3A_19 : memref<40x128xi32, #tpu.memory_space<hbm>>) target(%arg6 : memref<40x128xi32, #tpu.memory_space<vmem>>) target_semaphore(%run_scoped3A : memref<!tpu.dma_semaphore, #tpu.memory_space<semaphore_mem>>)
      %dma_wait3A = arith.constant 0 : i32
      %dma_wait3A_20 = tpu.memref_slice %arg2[%mul3A_2, %dma_wait3A] : memref<1280x128xi32, #tpu.memory_space<hbm>> -> memref<40x128xi32, #tpu.memory_space<hbm>>
      %dma_wait3A_21 = arith.constant 0 : i32
      %dma_wait3A_22 = tpu.memref_slice %arg2[%mul3A_2, %dma_wait3A_21] : memref<1280x128xi32, #tpu.memory_space<hbm>> -> memref<40x128xi32, #tpu.memory_space<hbm>>
      tpu.wait_dma2 semaphore(%run_scoped3A : memref<!tpu.dma_semaphore, #tpu.memory_space<semaphore_mem>>) src(%dma_wait3A_22 : memref<40x128xi32, #tpu.memory_space<hbm>>) dst(%arg6 : memref<40x128xi32, #tpu.memory_space<vmem>>)
      tpu.yield
    }) : () -> ()
    "tpu.region"() ({
      %run_scoped3A = tpu.sem_alloc : memref<!tpu.dma_semaphore, #tpu.memory_space<semaphore_mem>>
      tpu.enqueue_dma source(%arg4 : memref<128x16xf32, #tpu.memory_space<hbm>>) target(%arg7 : memref<128x16xf32, #tpu.memory_space<vmem>>) target_semaphore(%run_scoped3A : memref<!tpu.dma_semaphore, #tpu.memory_space<semaphore_mem>>)
      tpu.wait_dma2 semaphore(%run_scoped3A : memref<!tpu.dma_semaphore, #tpu.memory_space<semaphore_mem>>) src(%arg4 : memref<128x16xf32, #tpu.memory_space<hbm>>) dst(%arg7 : memref<128x16xf32, #tpu.memory_space<vmem>>)
      tpu.yield
    }) : () -> ()
    %mul3A_3 = arith.constant 640 : i32
    %mul3A_4 = arith.muli %arg1, %mul3A_3 : i32
    %mul3A_5 = arith.constant 640 : i32
    %mul3A_6 = arith.muli %arg1, %mul3A_5 : i32
    "tpu.region"() ({
      %run_scoped3A = tpu.sem_alloc : memref<!tpu.dma_semaphore, #tpu.memory_space<semaphore_mem>>
      %dma_start3A = arith.constant 0 : i32
      %dma_start3A_17 = tpu.memref_slice %arg8[%mul3A_6, %dma_start3A] : memref<10240x16xf32, #tpu.memory_space<vmem_shared>> -> memref<640x16xf32, #tpu.memory_space<vmem_shared>>
      %dma_start3A_18 = arith.constant 0 : i32
      %dma_start3A_19 = tpu.memref_slice %arg3[%mul3A_4, %dma_start3A_18] : memref<10240x16xf32, #tpu.memory_space<hbm>> -> memref<640x16xf32, #tpu.memory_space<hbm>>
      tpu.enqueue_dma source(%dma_start3A_19 : memref<640x16xf32, #tpu.memory_space<hbm>>) target(%dma_start3A_17 : memref<640x16xf32, #tpu.memory_space<vmem_shared>>) target_semaphore(%run_scoped3A : memref<!tpu.dma_semaphore, #tpu.memory_space<semaphore_mem>>)
      %dma_wait3A = arith.constant 0 : i32
      %dma_wait3A_20 = tpu.memref_slice %arg8[%mul3A_6, %dma_wait3A] : memref<10240x16xf32, #tpu.memory_space<vmem_shared>> -> memref<640x16xf32, #tpu.memory_space<vmem_shared>>
      %dma_wait3A_21 = arith.constant 0 : i32
      %dma_wait3A_22 = tpu.memref_slice %arg3[%mul3A_4, %dma_wait3A_21] : memref<10240x16xf32, #tpu.memory_space<hbm>> -> memref<640x16xf32, #tpu.memory_space<hbm>>
      tpu.wait_dma2 semaphore(%run_scoped3A : memref<!tpu.dma_semaphore, #tpu.memory_space<semaphore_mem>>) src(%dma_wait3A_22 : memref<640x16xf32, #tpu.memory_space<hbm>>) dst(%dma_wait3A_20 : memref<640x16xf32, #tpu.memory_space<vmem_shared>>)
      tpu.yield
    }) : () -> ()
    %barrier3A = arith.constant 0 : index
    tpu.barrier barrier_id(%barrier3A)
    %scan3A = arith.constant 0 : i32
    %scan3A_7 = arith.constant 0 : i32
    %scan3A_8 = arith.constant 40 : i32
    %scan3A_9 = arith.addi %scan3A_7, %scan3A_8 : i32
    %scan3A_10 = arith.constant 1 : i32
    scf.for %scan3A_17 = %scan3A_7 to %scan3A_9 step %scan3A_10  : i32 {
      "tpu.region"() ({
        %run_scoped3A = tpu.sem_alloc : memref<!tpu.dma_semaphore, #tpu.memory_space<semaphore_mem>>
        %dma_start3A = arith.constant 0 : i32
        %dma_start3A_18 = tpu.memref_slice %arg6[%scan3A_17, %dma_start3A] : memref<40x128xi32, #tpu.memory_space<vmem>> -> memref<1x128xi32, #tpu.memory_space<vmem>>
        %dma_start3A_19 = tpu.memref_squeeze %dma_start3A_18 : memref<1x128xi32, #tpu.memory_space<vmem>> -> memref<128xi32, #tpu.memory_space<vmem>>
        %dma_start3A_20 = arith.constant 0 : i32
        %dma_start3A_21 = arith.constant 0 : i32
        %dma_start3A_22 = tpu.memref_slice %arg8[%dma_start3A_20, %dma_start3A_21] : memref<10240x16xf32, #tpu.memory_space<vmem_shared>> -> memref<10240x16xf32, #tpu.memory_space<vmem_shared>>
        tpu.enqueue_indirect_dma source(%arg7 : memref<128x16xf32, #tpu.memory_space<vmem>>) target(%dma_start3A_22 : memref<10240x16xf32, #tpu.memory_space<vmem_shared>>) offsets(%dma_start3A_19 : memref<128xi32, #tpu.memory_space<vmem>>) semaphore(%run_scoped3A : memref<!tpu.dma_semaphore, #tpu.memory_space<semaphore_mem>>) {add = true}
        %dma_wait3A = arith.constant 0 : i32
        %dma_wait3A_23 = tpu.memref_slice %arg6[%scan3A_17, %dma_wait3A] : memref<40x128xi32, #tpu.memory_space<vmem>> -> memref<1x128xi32, #tpu.memory_space<vmem>>
        %dma_wait3A_24 = tpu.memref_squeeze %dma_wait3A_23 : memref<1x128xi32, #tpu.memory_space<vmem>> -> memref<128xi32, #tpu.memory_space<vmem>>
        %dma_wait3A_25 = arith.constant 0 : i32
        %dma_wait3A_26 = arith.constant 0 : i32
        %dma_wait3A_27 = tpu.memref_slice %arg8[%dma_wait3A_25, %dma_wait3A_26] : memref<10240x16xf32, #tpu.memory_space<vmem_shared>> -> memref<10240x16xf32, #tpu.memory_space<vmem_shared>>
        tpu.wait_indirect_dma semaphore(%run_scoped3A : memref<!tpu.dma_semaphore, #tpu.memory_space<semaphore_mem>>) src(%arg7 : memref<128x16xf32, #tpu.memory_space<vmem>>) dst(%dma_wait3A_27 : memref<10240x16xf32, #tpu.memory_space<vmem_shared>>)
        tpu.yield
      }) : () -> ()
    }
    %scan3A_11 = arith.constant 40 : i32
    %barrier3A_12 = arith.constant 0 : index
    tpu.barrier barrier_id(%barrier3A_12)
    %mul3A_13 = arith.constant 640 : i32
    %mul3A_14 = arith.muli %arg1, %mul3A_13 : i32
    %mul3A_15 = arith.constant 640 : i32
    %mul3A_16 = arith.muli %arg1, %mul3A_15 : i32
    "tpu.region"() ({
      %run_scoped3A = tpu.sem_alloc : memref<!tpu.dma_semaphore, #tpu.memory_space<semaphore_mem>>
      %dma_start3A = arith.constant 0 : i32
      %dma_start3A_17 = arith.constant 0 : i32
      %dma_start3A_18 = tpu.memref_slice %arg5[%arg0, %dma_start3A, %dma_start3A_17] : memref<2x10240x16xf32, #tpu.memory_space<hbm>> -> memref<1x10240x16xf32, #tpu.memory_space<hbm>>
      %dma_start3A_19 = tpu.memref_squeeze %dma_start3A_18 : memref<1x10240x16xf32, #tpu.memory_space<hbm>> -> memref<10240x16xf32, #tpu.memory_space<hbm>>
      %dma_start3A_20 = arith.constant 0 : i32
      %dma_start3A_21 = tpu.memref_slice %dma_start3A_19[%mul3A_16, %dma_start3A_20] : memref<10240x16xf32, #tpu.memory_space<hbm>> -> memref<640x16xf32, #tpu.memory_space<hbm>>
      %dma_start3A_22 = arith.constant 0 : i32
      %dma_start3A_23 = tpu.memref_slice %arg8[%mul3A_14, %dma_start3A_22] : memref<10240x16xf32, #tpu.memory_space<vmem_shared>> -> memref<640x16xf32, #tpu.memory_space<vmem_shared>>
      tpu.enqueue_dma source(%dma_start3A_23 : memref<640x16xf32, #tpu.memory_space<vmem_shared>>) target(%dma_start3A_21 : memref<640x16xf32, #tpu.memory_space<hbm>>) target_semaphore(%run_scoped3A : memref<!tpu.dma_semaphore, #tpu.memory_space<semaphore_mem>>)
      %dma_wait3A = arith.constant 0 : i32
      %dma_wait3A_24 = arith.constant 0 : i32
      %dma_wait3A_25 = tpu.memref_slice %arg5[%arg0, %dma_wait3A, %dma_wait3A_24] : memref<2x10240x16xf32, #tpu.memory_space<hbm>> -> memref<1x10240x16xf32, #tpu.memory_space<hbm>>
      %dma_wait3A_26 = tpu.memref_squeeze %dma_wait3A_25 : memref<1x10240x16xf32, #tpu.memory_space<hbm>> -> memref<10240x16xf32, #tpu.memory_space<hbm>>
      %dma_wait3A_27 = arith.constant 0 : i32
      %dma_wait3A_28 = tpu.memref_slice %dma_wait3A_26[%mul3A_16, %dma_wait3A_27] : memref<10240x16xf32, #tpu.memory_space<hbm>> -> memref<640x16xf32, #tpu.memory_space<hbm>>
      %dma_wait3A_29 = arith.constant 0 : i32
      %dma_wait3A_30 = tpu.memref_slice %arg8[%mul3A_14, %dma_wait3A_29] : memref<10240x16xf32, #tpu.memory_space<vmem_shared>> -> memref<640x16xf32, #tpu.memory_space<vmem_shared>>
      tpu.wait_dma2 semaphore(%run_scoped3A : memref<!tpu.dma_semaphore, #tpu.memory_space<semaphore_mem>>) src(%dma_wait3A_30 : memref<640x16xf32, #tpu.memory_space<vmem_shared>>) dst(%dma_wait3A_28 : memref<640x16xf32, #tpu.memory_space<hbm>>)
      tpu.yield
    }) : () -> ()
    return
  }
}

#map = affine_map<(d0, d1) -> (0, 0)>
#map1 = affine_map<(d0, d1) -> (0, 0, 0)>
module attributes {stable_mosaic.version = 14 : i64} {
  func.func @_sc_edge_pass(%arg0: i32, %arg1: i32, %arg2: memref<1280x128xi32, #tpu.memory_space<hbm>>, %arg3: memref<1280x128xi32, #tpu.memory_space<hbm>>, %arg4: memref<10016x16xf32, #tpu.memory_space<hbm>>, %arg5: memref<10240x16xf32, #tpu.memory_space<hbm>>, %arg6: memref<2x10240x16xf32, #tpu.memory_space<hbm>>, %arg7: memref<40x128xi32, #tpu.memory_space<vmem>>, %arg8: memref<40x128xi32, #tpu.memory_space<vmem>>, %arg9: memref<128x16xf32, #tpu.memory_space<vmem>>, %arg10: memref<10240x16xf32, #tpu.memory_space<vmem_shared>>, %arg11: memref<!tpu.dma_semaphore, #tpu.memory_space<semaphore_mem>>) attributes {dimension_semantics = [#tpu.dimension_semantics<core_parallel>, #tpu.dimension_semantics<subcore_parallel>], iteration_bounds = array<i64: 2, 16>, scalar_prefetch = 0 : i64, scratch_operands = 5 : i64, tpu.core_type = #tpu.core_type<sc_vector_subcore>, window_params = [{transform_indices = #map}, {transform_indices = #map}, {transform_indices = #map}, {transform_indices = #map}, {transform_indices = #map1}]} {
    %mul3A = arith.constant 2 : i32
    %mul3A_0 = arith.muli %arg1, %mul3A : i32
    %add3A = arith.addi %mul3A_0, %arg0 : i32
    %mul3A_1 = arith.constant 40 : i32
    %mul3A_2 = arith.muli %add3A, %mul3A_1 : i32
    "tpu.region"() ({
      %run_scoped3A = tpu.sem_alloc : memref<!tpu.dma_semaphore, #tpu.memory_space<semaphore_mem>>
      %dma_start3A = arith.constant 0 : i32
      %dma_start3A_19 = tpu.memref_slice %arg2[%mul3A_2, %dma_start3A] : memref<1280x128xi32, #tpu.memory_space<hbm>> -> memref<40x128xi32, #tpu.memory_space<hbm>>
      %dma_start3A_20 = arith.constant 0 : i32
      %dma_start3A_21 = tpu.memref_slice %arg2[%mul3A_2, %dma_start3A_20] : memref<1280x128xi32, #tpu.memory_space<hbm>> -> memref<40x128xi32, #tpu.memory_space<hbm>>
      tpu.enqueue_dma source(%dma_start3A_21 : memref<40x128xi32, #tpu.memory_space<hbm>>) target(%arg7 : memref<40x128xi32, #tpu.memory_space<vmem>>) target_semaphore(%run_scoped3A : memref<!tpu.dma_semaphore, #tpu.memory_space<semaphore_mem>>)
      %dma_wait3A = arith.constant 0 : i32
      %dma_wait3A_22 = tpu.memref_slice %arg2[%mul3A_2, %dma_wait3A] : memref<1280x128xi32, #tpu.memory_space<hbm>> -> memref<40x128xi32, #tpu.memory_space<hbm>>
      %dma_wait3A_23 = arith.constant 0 : i32
      %dma_wait3A_24 = tpu.memref_slice %arg2[%mul3A_2, %dma_wait3A_23] : memref<1280x128xi32, #tpu.memory_space<hbm>> -> memref<40x128xi32, #tpu.memory_space<hbm>>
      tpu.wait_dma2 semaphore(%run_scoped3A : memref<!tpu.dma_semaphore, #tpu.memory_space<semaphore_mem>>) src(%dma_wait3A_24 : memref<40x128xi32, #tpu.memory_space<hbm>>) dst(%arg7 : memref<40x128xi32, #tpu.memory_space<vmem>>)
      tpu.yield
    }) : () -> ()
    %mul3A_3 = arith.constant 40 : i32
    %mul3A_4 = arith.muli %add3A, %mul3A_3 : i32
    "tpu.region"() ({
      %run_scoped3A = tpu.sem_alloc : memref<!tpu.dma_semaphore, #tpu.memory_space<semaphore_mem>>
      %dma_start3A = arith.constant 0 : i32
      %dma_start3A_19 = tpu.memref_slice %arg3[%mul3A_4, %dma_start3A] : memref<1280x128xi32, #tpu.memory_space<hbm>> -> memref<40x128xi32, #tpu.memory_space<hbm>>
      %dma_start3A_20 = arith.constant 0 : i32
      %dma_start3A_21 = tpu.memref_slice %arg3[%mul3A_4, %dma_start3A_20] : memref<1280x128xi32, #tpu.memory_space<hbm>> -> memref<40x128xi32, #tpu.memory_space<hbm>>
      tpu.enqueue_dma source(%dma_start3A_21 : memref<40x128xi32, #tpu.memory_space<hbm>>) target(%arg8 : memref<40x128xi32, #tpu.memory_space<vmem>>) target_semaphore(%run_scoped3A : memref<!tpu.dma_semaphore, #tpu.memory_space<semaphore_mem>>)
      %dma_wait3A = arith.constant 0 : i32
      %dma_wait3A_22 = tpu.memref_slice %arg3[%mul3A_4, %dma_wait3A] : memref<1280x128xi32, #tpu.memory_space<hbm>> -> memref<40x128xi32, #tpu.memory_space<hbm>>
      %dma_wait3A_23 = arith.constant 0 : i32
      %dma_wait3A_24 = tpu.memref_slice %arg3[%mul3A_4, %dma_wait3A_23] : memref<1280x128xi32, #tpu.memory_space<hbm>> -> memref<40x128xi32, #tpu.memory_space<hbm>>
      tpu.wait_dma2 semaphore(%run_scoped3A : memref<!tpu.dma_semaphore, #tpu.memory_space<semaphore_mem>>) src(%dma_wait3A_24 : memref<40x128xi32, #tpu.memory_space<hbm>>) dst(%arg8 : memref<40x128xi32, #tpu.memory_space<vmem>>)
      tpu.yield
    }) : () -> ()
    %mul3A_5 = arith.constant 640 : i32
    %mul3A_6 = arith.muli %arg1, %mul3A_5 : i32
    %mul3A_7 = arith.constant 640 : i32
    %mul3A_8 = arith.muli %arg1, %mul3A_7 : i32
    "tpu.region"() ({
      %run_scoped3A = tpu.sem_alloc : memref<!tpu.dma_semaphore, #tpu.memory_space<semaphore_mem>>
      %dma_start3A = arith.constant 0 : i32
      %dma_start3A_19 = tpu.memref_slice %arg10[%mul3A_8, %dma_start3A] : memref<10240x16xf32, #tpu.memory_space<vmem_shared>> -> memref<640x16xf32, #tpu.memory_space<vmem_shared>>
      %dma_start3A_20 = arith.constant 0 : i32
      %dma_start3A_21 = tpu.memref_slice %arg5[%mul3A_6, %dma_start3A_20] : memref<10240x16xf32, #tpu.memory_space<hbm>> -> memref<640x16xf32, #tpu.memory_space<hbm>>
      tpu.enqueue_dma source(%dma_start3A_21 : memref<640x16xf32, #tpu.memory_space<hbm>>) target(%dma_start3A_19 : memref<640x16xf32, #tpu.memory_space<vmem_shared>>) target_semaphore(%run_scoped3A : memref<!tpu.dma_semaphore, #tpu.memory_space<semaphore_mem>>)
      %dma_wait3A = arith.constant 0 : i32
      %dma_wait3A_22 = tpu.memref_slice %arg10[%mul3A_8, %dma_wait3A] : memref<10240x16xf32, #tpu.memory_space<vmem_shared>> -> memref<640x16xf32, #tpu.memory_space<vmem_shared>>
      %dma_wait3A_23 = arith.constant 0 : i32
      %dma_wait3A_24 = tpu.memref_slice %arg5[%mul3A_6, %dma_wait3A_23] : memref<10240x16xf32, #tpu.memory_space<hbm>> -> memref<640x16xf32, #tpu.memory_space<hbm>>
      tpu.wait_dma2 semaphore(%run_scoped3A : memref<!tpu.dma_semaphore, #tpu.memory_space<semaphore_mem>>) src(%dma_wait3A_24 : memref<640x16xf32, #tpu.memory_space<hbm>>) dst(%dma_wait3A_22 : memref<640x16xf32, #tpu.memory_space<vmem_shared>>)
      tpu.yield
    }) : () -> ()
    %barrier3A = arith.constant 0 : index
    tpu.barrier barrier_id(%barrier3A)
    %scan3A = arith.constant 0 : i32
    %scan3A_9 = arith.constant 0 : i32
    %scan3A_10 = arith.constant 40 : i32
    %scan3A_11 = arith.addi %scan3A_9, %scan3A_10 : i32
    %scan3A_12 = arith.constant 1 : i32
    scf.for %scan3A_19 = %scan3A_9 to %scan3A_11 step %scan3A_12  : i32 {
      %dma_start3A = arith.constant 0 : i32
      %dma_start3A_20 = tpu.memref_slice %arg7[%scan3A_19, %dma_start3A] : memref<40x128xi32, #tpu.memory_space<vmem>> -> memref<1x128xi32, #tpu.memory_space<vmem>>
      %dma_start3A_21 = tpu.memref_squeeze %dma_start3A_20 : memref<1x128xi32, #tpu.memory_space<vmem>> -> memref<128xi32, #tpu.memory_space<vmem>>
      %dma_start3A_22 = arith.constant 0 : i32
      %dma_start3A_23 = arith.constant 0 : i32
      %dma_start3A_24 = tpu.memref_slice %arg4[%dma_start3A_22, %dma_start3A_23] : memref<10016x16xf32, #tpu.memory_space<hbm>> -> memref<10016x16xf32, #tpu.memory_space<hbm>>
      tpu.enqueue_indirect_dma source(%dma_start3A_24 : memref<10016x16xf32, #tpu.memory_space<hbm>>) target(%arg9 : memref<128x16xf32, #tpu.memory_space<vmem>>) offsets(%dma_start3A_21 : memref<128xi32, #tpu.memory_space<vmem>>) semaphore(%arg11 : memref<!tpu.dma_semaphore, #tpu.memory_space<semaphore_mem>>)
      %dma_wait3A = arith.constant 0 : i32
      %dma_wait3A_25 = tpu.memref_slice %arg7[%scan3A_19, %dma_wait3A] : memref<40x128xi32, #tpu.memory_space<vmem>> -> memref<1x128xi32, #tpu.memory_space<vmem>>
      %dma_wait3A_26 = tpu.memref_squeeze %dma_wait3A_25 : memref<1x128xi32, #tpu.memory_space<vmem>> -> memref<128xi32, #tpu.memory_space<vmem>>
      %dma_wait3A_27 = arith.constant 0 : i32
      %dma_wait3A_28 = arith.constant 0 : i32
      %dma_wait3A_29 = tpu.memref_slice %arg4[%dma_wait3A_27, %dma_wait3A_28] : memref<10016x16xf32, #tpu.memory_space<hbm>> -> memref<10016x16xf32, #tpu.memory_space<hbm>>
      tpu.wait_indirect_dma semaphore(%arg11 : memref<!tpu.dma_semaphore, #tpu.memory_space<semaphore_mem>>) src(%dma_wait3A_29 : memref<10016x16xf32, #tpu.memory_space<hbm>>) dst(%arg9 : memref<128x16xf32, #tpu.memory_space<vmem>>)
      "tpu.region"() ({
        %run_scoped3A = tpu.sem_alloc : memref<!tpu.dma_semaphore, #tpu.memory_space<semaphore_mem>>
        %dma_start3A_30 = arith.constant 0 : i32
        %dma_start3A_31 = tpu.memref_slice %arg8[%scan3A_19, %dma_start3A_30] : memref<40x128xi32, #tpu.memory_space<vmem>> -> memref<1x128xi32, #tpu.memory_space<vmem>>
        %dma_start3A_32 = tpu.memref_squeeze %dma_start3A_31 : memref<1x128xi32, #tpu.memory_space<vmem>> -> memref<128xi32, #tpu.memory_space<vmem>>
        %dma_start3A_33 = arith.constant 0 : i32
        %dma_start3A_34 = arith.constant 0 : i32
        %dma_start3A_35 = tpu.memref_slice %arg10[%dma_start3A_33, %dma_start3A_34] : memref<10240x16xf32, #tpu.memory_space<vmem_shared>> -> memref<10240x16xf32, #tpu.memory_space<vmem_shared>>
        tpu.enqueue_indirect_dma source(%arg9 : memref<128x16xf32, #tpu.memory_space<vmem>>) target(%dma_start3A_35 : memref<10240x16xf32, #tpu.memory_space<vmem_shared>>) offsets(%dma_start3A_32 : memref<128xi32, #tpu.memory_space<vmem>>) semaphore(%run_scoped3A : memref<!tpu.dma_semaphore, #tpu.memory_space<semaphore_mem>>) {add = true}
        %dma_wait3A_36 = arith.constant 0 : i32
        %dma_wait3A_37 = tpu.memref_slice %arg8[%scan3A_19, %dma_wait3A_36] : memref<40x128xi32, #tpu.memory_space<vmem>> -> memref<1x128xi32, #tpu.memory_space<vmem>>
        %dma_wait3A_38 = tpu.memref_squeeze %dma_wait3A_37 : memref<1x128xi32, #tpu.memory_space<vmem>> -> memref<128xi32, #tpu.memory_space<vmem>>
        %dma_wait3A_39 = arith.constant 0 : i32
        %dma_wait3A_40 = arith.constant 0 : i32
        %dma_wait3A_41 = tpu.memref_slice %arg10[%dma_wait3A_39, %dma_wait3A_40] : memref<10240x16xf32, #tpu.memory_space<vmem_shared>> -> memref<10240x16xf32, #tpu.memory_space<vmem_shared>>
        tpu.wait_indirect_dma semaphore(%run_scoped3A : memref<!tpu.dma_semaphore, #tpu.memory_space<semaphore_mem>>) src(%arg9 : memref<128x16xf32, #tpu.memory_space<vmem>>) dst(%dma_wait3A_41 : memref<10240x16xf32, #tpu.memory_space<vmem_shared>>)
        tpu.yield
      }) : () -> ()
    }
    %scan3A_13 = arith.constant 40 : i32
    %barrier3A_14 = arith.constant 0 : index
    tpu.barrier barrier_id(%barrier3A_14)
    %mul3A_15 = arith.constant 640 : i32
    %mul3A_16 = arith.muli %arg1, %mul3A_15 : i32
    %mul3A_17 = arith.constant 640 : i32
    %mul3A_18 = arith.muli %arg1, %mul3A_17 : i32
    "tpu.region"() ({
      %run_scoped3A = tpu.sem_alloc : memref<!tpu.dma_semaphore, #tpu.memory_space<semaphore_mem>>
      %dma_start3A = arith.constant 0 : i32
      %dma_start3A_19 = arith.constant 0 : i32
      %dma_start3A_20 = tpu.memref_slice %arg6[%arg0, %dma_start3A, %dma_start3A_19] : memref<2x10240x16xf32, #tpu.memory_space<hbm>> -> memref<1x10240x16xf32, #tpu.memory_space<hbm>>
      %dma_start3A_21 = tpu.memref_squeeze %dma_start3A_20 : memref<1x10240x16xf32, #tpu.memory_space<hbm>> -> memref<10240x16xf32, #tpu.memory_space<hbm>>
      %dma_start3A_22 = arith.constant 0 : i32
      %dma_start3A_23 = tpu.memref_slice %dma_start3A_21[%mul3A_18, %dma_start3A_22] : memref<10240x16xf32, #tpu.memory_space<hbm>> -> memref<640x16xf32, #tpu.memory_space<hbm>>
      %dma_start3A_24 = arith.constant 0 : i32
      %dma_start3A_25 = tpu.memref_slice %arg10[%mul3A_16, %dma_start3A_24] : memref<10240x16xf32, #tpu.memory_space<vmem_shared>> -> memref<640x16xf32, #tpu.memory_space<vmem_shared>>
      tpu.enqueue_dma source(%dma_start3A_25 : memref<640x16xf32, #tpu.memory_space<vmem_shared>>) target(%dma_start3A_23 : memref<640x16xf32, #tpu.memory_space<hbm>>) target_semaphore(%run_scoped3A : memref<!tpu.dma_semaphore, #tpu.memory_space<semaphore_mem>>)
      %dma_wait3A = arith.constant 0 : i32
      %dma_wait3A_26 = arith.constant 0 : i32
      %dma_wait3A_27 = tpu.memref_slice %arg6[%arg0, %dma_wait3A, %dma_wait3A_26] : memref<2x10240x16xf32, #tpu.memory_space<hbm>> -> memref<1x10240x16xf32, #tpu.memory_space<hbm>>
      %dma_wait3A_28 = tpu.memref_squeeze %dma_wait3A_27 : memref<1x10240x16xf32, #tpu.memory_space<hbm>> -> memref<10240x16xf32, #tpu.memory_space<hbm>>
      %dma_wait3A_29 = arith.constant 0 : i32
      %dma_wait3A_30 = tpu.memref_slice %dma_wait3A_28[%mul3A_18, %dma_wait3A_29] : memref<10240x16xf32, #tpu.memory_space<hbm>> -> memref<640x16xf32, #tpu.memory_space<hbm>>
      %dma_wait3A_31 = arith.constant 0 : i32
      %dma_wait3A_32 = tpu.memref_slice %arg10[%mul3A_16, %dma_wait3A_31] : memref<10240x16xf32, #tpu.memory_space<vmem_shared>> -> memref<640x16xf32, #tpu.memory_space<vmem_shared>>
      tpu.wait_dma2 semaphore(%run_scoped3A : memref<!tpu.dma_semaphore, #tpu.memory_space<semaphore_mem>>) src(%dma_wait3A_32 : memref<640x16xf32, #tpu.memory_space<vmem_shared>>) dst(%dma_wait3A_30 : memref<640x16xf32, #tpu.memory_space<hbm>>)
      tpu.yield
    }) : () -> ()
    return
  }
}

#map = affine_map<(d0, d1) -> (0, 0)>
#map1 = affine_map<(d0, d1) -> (0, 0, 0)>
module attributes {stable_mosaic.version = 14 : i64} {
  func.func @_sc_edge_pass(%arg0: i32, %arg1: i32, %arg2: memref<1280x128xi32, #tpu.memory_space<hbm>>, %arg3: memref<1280x128xi32, #tpu.memory_space<hbm>>, %arg4: memref<10016x16xf32, #tpu.memory_space<hbm>>, %arg5: memref<10240x16xf32, #tpu.memory_space<hbm>>, %arg6: memref<2x10240x16xf32, #tpu.memory_space<hbm>>, %arg7: memref<40x128xi32, #tpu.memory_space<vmem>>, %arg8: memref<40x128xi32, #tpu.memory_space<vmem>>, %arg9: memref<128x16xf32, #tpu.memory_space<vmem>>, %arg10: memref<10240x16xf32, #tpu.memory_space<vmem_shared>>, %arg11: memref<!tpu.dma_semaphore, #tpu.memory_space<semaphore_mem>>) attributes {dimension_semantics = [#tpu.dimension_semantics<core_parallel>, #tpu.dimension_semantics<subcore_parallel>], iteration_bounds = array<i64: 2, 16>, scalar_prefetch = 0 : i64, scratch_operands = 5 : i64, tpu.core_type = #tpu.core_type<sc_vector_subcore>, window_params = [{transform_indices = #map}, {transform_indices = #map}, {transform_indices = #map}, {transform_indices = #map}, {transform_indices = #map1}]} {
    %mul3A = arith.constant 2 : i32
    %mul3A_0 = arith.muli %arg1, %mul3A : i32
    %add3A = arith.addi %mul3A_0, %arg0 : i32
    %mul3A_1 = arith.constant 40 : i32
    %mul3A_2 = arith.muli %add3A, %mul3A_1 : i32
    "tpu.region"() ({
      %run_scoped3A = tpu.sem_alloc : memref<!tpu.dma_semaphore, #tpu.memory_space<semaphore_mem>>
      %dma_start3A = arith.constant 0 : i32
      %dma_start3A_19 = tpu.memref_slice %arg2[%mul3A_2, %dma_start3A] : memref<1280x128xi32, #tpu.memory_space<hbm>> -> memref<40x128xi32, #tpu.memory_space<hbm>>
      %dma_start3A_20 = arith.constant 0 : i32
      %dma_start3A_21 = tpu.memref_slice %arg2[%mul3A_2, %dma_start3A_20] : memref<1280x128xi32, #tpu.memory_space<hbm>> -> memref<40x128xi32, #tpu.memory_space<hbm>>
      tpu.enqueue_dma source(%dma_start3A_21 : memref<40x128xi32, #tpu.memory_space<hbm>>) target(%arg7 : memref<40x128xi32, #tpu.memory_space<vmem>>) target_semaphore(%run_scoped3A : memref<!tpu.dma_semaphore, #tpu.memory_space<semaphore_mem>>)
      %dma_wait3A = arith.constant 0 : i32
      %dma_wait3A_22 = tpu.memref_slice %arg2[%mul3A_2, %dma_wait3A] : memref<1280x128xi32, #tpu.memory_space<hbm>> -> memref<40x128xi32, #tpu.memory_space<hbm>>
      %dma_wait3A_23 = arith.constant 0 : i32
      %dma_wait3A_24 = tpu.memref_slice %arg2[%mul3A_2, %dma_wait3A_23] : memref<1280x128xi32, #tpu.memory_space<hbm>> -> memref<40x128xi32, #tpu.memory_space<hbm>>
      tpu.wait_dma2 semaphore(%run_scoped3A : memref<!tpu.dma_semaphore, #tpu.memory_space<semaphore_mem>>) src(%dma_wait3A_24 : memref<40x128xi32, #tpu.memory_space<hbm>>) dst(%arg7 : memref<40x128xi32, #tpu.memory_space<vmem>>)
      tpu.yield
    }) : () -> ()
    %mul3A_3 = arith.constant 40 : i32
    %mul3A_4 = arith.muli %add3A, %mul3A_3 : i32
    "tpu.region"() ({
      %run_scoped3A = tpu.sem_alloc : memref<!tpu.dma_semaphore, #tpu.memory_space<semaphore_mem>>
      %dma_start3A = arith.constant 0 : i32
      %dma_start3A_19 = tpu.memref_slice %arg3[%mul3A_4, %dma_start3A] : memref<1280x128xi32, #tpu.memory_space<hbm>> -> memref<40x128xi32, #tpu.memory_space<hbm>>
      %dma_start3A_20 = arith.constant 0 : i32
      %dma_start3A_21 = tpu.memref_slice %arg3[%mul3A_4, %dma_start3A_20] : memref<1280x128xi32, #tpu.memory_space<hbm>> -> memref<40x128xi32, #tpu.memory_space<hbm>>
      tpu.enqueue_dma source(%dma_start3A_21 : memref<40x128xi32, #tpu.memory_space<hbm>>) target(%arg8 : memref<40x128xi32, #tpu.memory_space<vmem>>) target_semaphore(%run_scoped3A : memref<!tpu.dma_semaphore, #tpu.memory_space<semaphore_mem>>)
      %dma_wait3A = arith.constant 0 : i32
      %dma_wait3A_22 = tpu.memref_slice %arg3[%mul3A_4, %dma_wait3A] : memref<1280x128xi32, #tpu.memory_space<hbm>> -> memref<40x128xi32, #tpu.memory_space<hbm>>
      %dma_wait3A_23 = arith.constant 0 : i32
      %dma_wait3A_24 = tpu.memref_slice %arg3[%mul3A_4, %dma_wait3A_23] : memref<1280x128xi32, #tpu.memory_space<hbm>> -> memref<40x128xi32, #tpu.memory_space<hbm>>
      tpu.wait_dma2 semaphore(%run_scoped3A : memref<!tpu.dma_semaphore, #tpu.memory_space<semaphore_mem>>) src(%dma_wait3A_24 : memref<40x128xi32, #tpu.memory_space<hbm>>) dst(%arg8 : memref<40x128xi32, #tpu.memory_space<vmem>>)
      tpu.yield
    }) : () -> ()
    %mul3A_5 = arith.constant 640 : i32
    %mul3A_6 = arith.muli %arg1, %mul3A_5 : i32
    %mul3A_7 = arith.constant 640 : i32
    %mul3A_8 = arith.muli %arg1, %mul3A_7 : i32
    "tpu.region"() ({
      %run_scoped3A = tpu.sem_alloc : memref<!tpu.dma_semaphore, #tpu.memory_space<semaphore_mem>>
      %dma_start3A = arith.constant 0 : i32
      %dma_start3A_19 = tpu.memref_slice %arg10[%mul3A_8, %dma_start3A] : memref<10240x16xf32, #tpu.memory_space<vmem_shared>> -> memref<640x16xf32, #tpu.memory_space<vmem_shared>>
      %dma_start3A_20 = arith.constant 0 : i32
      %dma_start3A_21 = tpu.memref_slice %arg5[%mul3A_6, %dma_start3A_20] : memref<10240x16xf32, #tpu.memory_space<hbm>> -> memref<640x16xf32, #tpu.memory_space<hbm>>
      tpu.enqueue_dma source(%dma_start3A_21 : memref<640x16xf32, #tpu.memory_space<hbm>>) target(%dma_start3A_19 : memref<640x16xf32, #tpu.memory_space<vmem_shared>>) target_semaphore(%run_scoped3A : memref<!tpu.dma_semaphore, #tpu.memory_space<semaphore_mem>>)
      %dma_wait3A = arith.constant 0 : i32
      %dma_wait3A_22 = tpu.memref_slice %arg10[%mul3A_8, %dma_wait3A] : memref<10240x16xf32, #tpu.memory_space<vmem_shared>> -> memref<640x16xf32, #tpu.memory_space<vmem_shared>>
      %dma_wait3A_23 = arith.constant 0 : i32
      %dma_wait3A_24 = tpu.memref_slice %arg5[%mul3A_6, %dma_wait3A_23] : memref<10240x16xf32, #tpu.memory_space<hbm>> -> memref<640x16xf32, #tpu.memory_space<hbm>>
      tpu.wait_dma2 semaphore(%run_scoped3A : memref<!tpu.dma_semaphore, #tpu.memory_space<semaphore_mem>>) src(%dma_wait3A_24 : memref<640x16xf32, #tpu.memory_space<hbm>>) dst(%dma_wait3A_22 : memref<640x16xf32, #tpu.memory_space<vmem_shared>>)
      tpu.yield
    }) : () -> ()
    %barrier3A = arith.constant 0 : index
    tpu.barrier barrier_id(%barrier3A)
    %scan3A = arith.constant 0 : i32
    %scan3A_9 = arith.constant 0 : i32
    %scan3A_10 = arith.constant 40 : i32
    %scan3A_11 = arith.addi %scan3A_9, %scan3A_10 : i32
    %scan3A_12 = arith.constant 1 : i32
    scf.for %scan3A_19 = %scan3A_9 to %scan3A_11 step %scan3A_12  : i32 {
      %dma_start3A = arith.constant 0 : i32
      %dma_start3A_20 = tpu.memref_slice %arg7[%scan3A_19, %dma_start3A] : memref<40x128xi32, #tpu.memory_space<vmem>> -> memref<1x128xi32, #tpu.memory_space<vmem>>
      %dma_start3A_21 = tpu.memref_squeeze %dma_start3A_20 : memref<1x128xi32, #tpu.memory_space<vmem>> -> memref<128xi32, #tpu.memory_space<vmem>>
      %dma_start3A_22 = arith.constant 0 : i32
      %dma_start3A_23 = arith.constant 0 : i32
      %dma_start3A_24 = tpu.memref_slice %arg4[%dma_start3A_22, %dma_start3A_23] : memref<10016x16xf32, #tpu.memory_space<hbm>> -> memref<10016x16xf32, #tpu.memory_space<hbm>>
      tpu.enqueue_indirect_dma source(%dma_start3A_24 : memref<10016x16xf32, #tpu.memory_space<hbm>>) target(%arg9 : memref<128x16xf32, #tpu.memory_space<vmem>>) offsets(%dma_start3A_21 : memref<128xi32, #tpu.memory_space<vmem>>) semaphore(%arg11 : memref<!tpu.dma_semaphore, #tpu.memory_space<semaphore_mem>>)
      %dma_wait3A = arith.constant 0 : i32
      %dma_wait3A_25 = tpu.memref_slice %arg7[%scan3A_19, %dma_wait3A] : memref<40x128xi32, #tpu.memory_space<vmem>> -> memref<1x128xi32, #tpu.memory_space<vmem>>
      %dma_wait3A_26 = tpu.memref_squeeze %dma_wait3A_25 : memref<1x128xi32, #tpu.memory_space<vmem>> -> memref<128xi32, #tpu.memory_space<vmem>>
      %dma_wait3A_27 = arith.constant 0 : i32
      %dma_wait3A_28 = arith.constant 0 : i32
      %dma_wait3A_29 = tpu.memref_slice %arg4[%dma_wait3A_27, %dma_wait3A_28] : memref<10016x16xf32, #tpu.memory_space<hbm>> -> memref<10016x16xf32, #tpu.memory_space<hbm>>
      tpu.wait_indirect_dma semaphore(%arg11 : memref<!tpu.dma_semaphore, #tpu.memory_space<semaphore_mem>>) src(%dma_wait3A_29 : memref<10016x16xf32, #tpu.memory_space<hbm>>) dst(%arg9 : memref<128x16xf32, #tpu.memory_space<vmem>>)
      "tpu.region"() ({
        %run_scoped3A = tpu.sem_alloc : memref<!tpu.dma_semaphore, #tpu.memory_space<semaphore_mem>>
        %dma_start3A_30 = arith.constant 0 : i32
        %dma_start3A_31 = tpu.memref_slice %arg8[%scan3A_19, %dma_start3A_30] : memref<40x128xi32, #tpu.memory_space<vmem>> -> memref<1x128xi32, #tpu.memory_space<vmem>>
        %dma_start3A_32 = tpu.memref_squeeze %dma_start3A_31 : memref<1x128xi32, #tpu.memory_space<vmem>> -> memref<128xi32, #tpu.memory_space<vmem>>
        %dma_start3A_33 = arith.constant 0 : i32
        %dma_start3A_34 = arith.constant 0 : i32
        %dma_start3A_35 = tpu.memref_slice %arg10[%dma_start3A_33, %dma_start3A_34] : memref<10240x16xf32, #tpu.memory_space<vmem_shared>> -> memref<10240x16xf32, #tpu.memory_space<vmem_shared>>
        tpu.enqueue_indirect_dma source(%arg9 : memref<128x16xf32, #tpu.memory_space<vmem>>) target(%dma_start3A_35 : memref<10240x16xf32, #tpu.memory_space<vmem_shared>>) offsets(%dma_start3A_32 : memref<128xi32, #tpu.memory_space<vmem>>) semaphore(%run_scoped3A : memref<!tpu.dma_semaphore, #tpu.memory_space<semaphore_mem>>) {add = true}
        %dma_wait3A_36 = arith.constant 0 : i32
        %dma_wait3A_37 = tpu.memref_slice %arg8[%scan3A_19, %dma_wait3A_36] : memref<40x128xi32, #tpu.memory_space<vmem>> -> memref<1x128xi32, #tpu.memory_space<vmem>>
        %dma_wait3A_38 = tpu.memref_squeeze %dma_wait3A_37 : memref<1x128xi32, #tpu.memory_space<vmem>> -> memref<128xi32, #tpu.memory_space<vmem>>
        %dma_wait3A_39 = arith.constant 0 : i32
        %dma_wait3A_40 = arith.constant 0 : i32
        %dma_wait3A_41 = tpu.memref_slice %arg10[%dma_wait3A_39, %dma_wait3A_40] : memref<10240x16xf32, #tpu.memory_space<vmem_shared>> -> memref<10240x16xf32, #tpu.memory_space<vmem_shared>>
        tpu.wait_indirect_dma semaphore(%run_scoped3A : memref<!tpu.dma_semaphore, #tpu.memory_space<semaphore_mem>>) src(%arg9 : memref<128x16xf32, #tpu.memory_space<vmem>>) dst(%dma_wait3A_41 : memref<10240x16xf32, #tpu.memory_space<vmem_shared>>)
        tpu.yield
      }) : () -> ()
    }
    %scan3A_13 = arith.constant 40 : i32
    %barrier3A_14 = arith.constant 0 : index
    tpu.barrier barrier_id(%barrier3A_14)
    %mul3A_15 = arith.constant 640 : i32
    %mul3A_16 = arith.muli %arg1, %mul3A_15 : i32
    %mul3A_17 = arith.constant 640 : i32
    %mul3A_18 = arith.muli %arg1, %mul3A_17 : i32
    "tpu.region"() ({
      %run_scoped3A = tpu.sem_alloc : memref<!tpu.dma_semaphore, #tpu.memory_space<semaphore_mem>>
      %dma_start3A = arith.constant 0 : i32
      %dma_start3A_19 = arith.constant 0 : i32
      %dma_start3A_20 = tpu.memref_slice %arg6[%arg0, %dma_start3A, %dma_start3A_19] : memref<2x10240x16xf32, #tpu.memory_space<hbm>> -> memref<1x10240x16xf32, #tpu.memory_space<hbm>>
      %dma_start3A_21 = tpu.memref_squeeze %dma_start3A_20 : memref<1x10240x16xf32, #tpu.memory_space<hbm>> -> memref<10240x16xf32, #tpu.memory_space<hbm>>
      %dma_start3A_22 = arith.constant 0 : i32
      %dma_start3A_23 = tpu.memref_slice %dma_start3A_21[%mul3A_18, %dma_start3A_22] : memref<10240x16xf32, #tpu.memory_space<hbm>> -> memref<640x16xf32, #tpu.memory_space<hbm>>
      %dma_start3A_24 = arith.constant 0 : i32
      %dma_start3A_25 = tpu.memref_slice %arg10[%mul3A_16, %dma_start3A_24] : memref<10240x16xf32, #tpu.memory_space<vmem_shared>> -> memref<640x16xf32, #tpu.memory_space<vmem_shared>>
      tpu.enqueue_dma source(%dma_start3A_25 : memref<640x16xf32, #tpu.memory_space<vmem_shared>>) target(%dma_start3A_23 : memref<640x16xf32, #tpu.memory_space<hbm>>) target_semaphore(%run_scoped3A : memref<!tpu.dma_semaphore, #tpu.memory_space<semaphore_mem>>)
      %dma_wait3A = arith.constant 0 : i32
      %dma_wait3A_26 = arith.constant 0 : i32
      %dma_wait3A_27 = tpu.memref_slice %arg6[%arg0, %dma_wait3A, %dma_wait3A_26] : memref<2x10240x16xf32, #tpu.memory_space<hbm>> -> memref<1x10240x16xf32, #tpu.memory_space<hbm>>
      %dma_wait3A_28 = tpu.memref_squeeze %dma_wait3A_27 : memref<1x10240x16xf32, #tpu.memory_space<hbm>> -> memref<10240x16xf32, #tpu.memory_space<hbm>>
      %dma_wait3A_29 = arith.constant 0 : i32
      %dma_wait3A_30 = tpu.memref_slice %dma_wait3A_28[%mul3A_18, %dma_wait3A_29] : memref<10240x16xf32, #tpu.memory_space<hbm>> -> memref<640x16xf32, #tpu.memory_space<hbm>>
      %dma_wait3A_31 = arith.constant 0 : i32
      %dma_wait3A_32 = tpu.memref_slice %arg10[%mul3A_16, %dma_wait3A_31] : memref<10240x16xf32, #tpu.memory_space<vmem_shared>> -> memref<640x16xf32, #tpu.memory_space<vmem_shared>>
      tpu.wait_dma2 semaphore(%run_scoped3A : memref<!tpu.dma_semaphore, #tpu.memory_space<semaphore_mem>>) src(%dma_wait3A_32 : memref<640x16xf32, #tpu.memory_space<vmem_shared>>) dst(%dma_wait3A_30 : memref<640x16xf32, #tpu.memory_space<hbm>>)
      tpu.yield
    }) : () -> ()
    return
  }
}

module attributes {stable_mosaic.version = 14 : i64} {
  func.func @_tc_dense1_body(%arg0: i32, %arg1: memref<1000x256xf32, #tpu.memory_space<vmem>>, %arg2: memref<256x32xf32, #tpu.memory_space<vmem>>, %arg3: memref<1000x16xf32, #tpu.memory_space<vmem>>, %arg4: memref<1000x16xf32, #tpu.memory_space<vmem>>, %arg5: memref<1x16xf32, #tpu.memory_space<vmem>>, %arg6: memref<1000x16xf32, #tpu.memory_space<vmem>>, %arg7: memref<1000x16xf32, #tpu.memory_space<vmem>>, %arg8: memref<1000x16xf32, #tpu.memory_space<vmem>>) attributes {dimension_semantics = [#tpu.dimension_semantics<arbitrary>], iteration_bounds = array<i64: 10>, scalar_prefetch = 0 : i64, scratch_operands = 0 : i64, tpu.core_type = #tpu.core_type<tc>, window_params = [{transform_indices = @transform_0, window_bounds = array<i64: 1000, 256>}, {pipeline_mode = #tpu.pipeline_mode<synchronous>, transform_indices = @transform_1, window_bounds = array<i64: 256, 32>}, {transform_indices = @transform_2, window_bounds = array<i64: 1000, 16>}, {transform_indices = @transform_3, window_bounds = array<i64: 1000, 16>}, {pipeline_mode = #tpu.pipeline_mode<synchronous>, transform_indices = @transform_4, window_bounds = array<i64: 1, 16>}, {transform_indices = @transform_5, window_bounds = array<i64: 1000, 16>}, {transform_indices = @transform_6, window_bounds = array<i64: 1000, 16>}, {transform_indices = @transform_7, window_bounds = array<i64: 1000, 16>}]} {
    %get3A = arith.constant 0 : index
    %get3A_0 = arith.constant 0 : index
    %get3A_1 = vector.load %arg3[%get3A, %get3A_0] : memref<1000x16xf32, #tpu.memory_space<vmem>>, vector<1000x16xf32>
    %get3A_2 = arith.constant 0 : index
    %get3A_3 = arith.constant 0 : index
    %get3A_4 = vector.load %arg4[%get3A_2, %get3A_3] : memref<1000x16xf32, #tpu.memory_space<vmem>>, vector<1000x16xf32>
    %add3A = arith.addf %get3A_1, %get3A_4 : vector<1000x16xf32>
    %gt3A = arith.constant 0.000000e+00 : f32
    %gt3A_5 = vector.broadcast %gt3A : f32 to vector<1000x16xf32>
    %gt3A_6 = arith.cmpf ogt, %add3A, %gt3A_5 : vector<1000x16xf32>
    %gt3A_7 = arith.constant 0.000000e+00 : f32
    %gt3A_8 = vector.broadcast %gt3A_7 : f32 to vector<1000x16xf32>
    %gt3A_9 = arith.cmpf ogt, %add3A, %gt3A_8 : vector<1000x16xf32>
    %jit3A = arith.constant 1.000000e+00 : f32
    %broadcast_in_dim3A = vector.broadcast %jit3A : f32 to vector<1000x16xf32>
    %select_n3A = arith.select %gt3A_9, %add3A, %broadcast_in_dim3A : vector<1000x16xi1>, vector<1000x16xf32>
    %rsqrt3A = math.rsqrt %select_n3A : vector<1000x16xf32>
    %jit3A_10 = arith.constant 0.000000e+00 : f32
    %broadcast_in_dim3A_11 = vector.broadcast %jit3A_10 : f32 to vector<1000x16xf32>
    %select_n3A_12 = arith.select %gt3A_6, %rsqrt3A, %broadcast_in_dim3A_11 : vector<1000x16xi1>, vector<1000x16xf32>
    %get3A_13 = arith.constant 0 : index
    %get3A_14 = arith.constant 0 : index
    %get3A_15 = vector.load %arg1[%get3A_13, %get3A_14] : memref<1000x256xf32, #tpu.memory_space<vmem>>, vector<1000x256xf32>
    %get3A_16 = arith.constant 0 : index
    %get3A_17 = arith.constant 0 : index
    %get3A_18 = vector.load %arg2[%get3A_16, %get3A_17] : memref<256x32xf32, #tpu.memory_space<vmem>>, vector<256x32xf32>
    %dot_general3A = arith.constant dense<0.000000e+00> : vector<1000x32xf32>
    %dot_general3A_19 = tpu.matmul %get3A_15, %get3A_18, %dot_general3A {dimension_numbers = #tpu.dot_dimension_numbers<[1], [0], [0], [1], [0, 0, 1, 1], [], []>, transpose_lhs_hint = false} : vector<1000x256xf32>, vector<256x32xf32>, vector<1000x32xf32> -> vector<1000x32xf32>
    %slice3A = vector.extract_strided_slice %dot_general3A_19 {offsets = [0, 0], sizes = [1000, 16], strides = [1, 1]} : vector<1000x32xf32> to vector<1000x16xf32>
    %get3A_20 = arith.constant 0 : index
    %get3A_21 = arith.constant 0 : index
    %get3A_22 = vector.load %arg5[%get3A_20, %get3A_21] : memref<1x16xf32, #tpu.memory_space<vmem>>, vector<1x16xf32>
    %add3A_23 = vector.broadcast %get3A_22 : vector<1x16xf32> to vector<1000x16xf32>
    %add3A_24 = arith.addf %slice3A, %add3A_23 : vector<1000x16xf32>
    %swap3A = arith.constant 0 : index
    %swap3A_25 = arith.constant 0 : index
    %swap3A_26 = vector.load %arg6[%swap3A, %swap3A_25] : memref<1000x16xf32, #tpu.memory_space<vmem>>, vector<1000x16xf32>
    tpu.vector_store %arg6[%swap3A, %swap3A_25], %add3A_24 {strides = array<i32>} : memref<1000x16xf32, #tpu.memory_space<vmem>>, vector<1000x16xf32>,
    %slice3A_27 = vector.extract_strided_slice %dot_general3A_19 {offsets = [0, 16], sizes = [1000, 16], strides = [1, 1]} : vector<1000x32xf32> to vector<1000x16xf32>
    %mul3A = arith.mulf %select_n3A_12, %slice3A_27 : vector<1000x16xf32>
    %swap3A_28 = arith.constant 0 : index
    %swap3A_29 = arith.constant 0 : index
    %swap3A_30 = vector.load %arg7[%swap3A_28, %swap3A_29] : memref<1000x16xf32, #tpu.memory_space<vmem>>, vector<1000x16xf32>
    tpu.vector_store %arg7[%swap3A_28, %swap3A_29], %mul3A {strides = array<i32>} : memref<1000x16xf32, #tpu.memory_space<vmem>>, vector<1000x16xf32>,
    %swap3A_31 = arith.constant 0 : index
    %swap3A_32 = arith.constant 0 : index
    %swap3A_33 = vector.load %arg8[%swap3A_31, %swap3A_32] : memref<1000x16xf32, #tpu.memory_space<vmem>>, vector<1000x16xf32>
    tpu.vector_store %arg8[%swap3A_31, %swap3A_32], %select_n3A_12 {strides = array<i32>} : memref<1000x16xf32, #tpu.memory_space<vmem>>, vector<1000x16xf32>,
    return
  }
  func.func @transform_0(%arg0: i32) -> (i32, i32) {
    %c0_i32 = arith.constant 0 : i32
    %c0_i32_0 = arith.constant 0 : i32
    return %arg0, %c0_i32 : i32, i32
  }
  func.func @transform_1(%arg0: i32) -> (i32, i32) {
    %c0_i32 = arith.constant 0 : i32
    %c0_i32_0 = arith.constant 0 : i32
    %c0_i32_1 = arith.constant 0 : i32
    return %c0_i32, %c0_i32_0 : i32, i32
  }
  func.func @transform_2(%arg0: i32) -> (i32, i32) {
    %c0_i32 = arith.constant 0 : i32
    %c0_i32_0 = arith.constant 0 : i32
    return %arg0, %c0_i32 : i32, i32
  }
  func.func @transform_3(%arg0: i32) -> (i32, i32) {
    %c0_i32 = arith.constant 0 : i32
    %c0_i32_0 = arith.constant 0 : i32
    return %arg0, %c0_i32 : i32, i32
  }
  func.func @transform_4(%arg0: i32) -> (i32, i32) {
    %c0_i32 = arith.constant 0 : i32
    %c0_i32_0 = arith.constant 0 : i32
    %c0_i32_1 = arith.constant 0 : i32
    return %c0_i32, %c0_i32_0 : i32, i32
  }
  func.func @transform_5(%arg0: i32) -> (i32, i32) {
    %c0_i32 = arith.constant 0 : i32
    %c0_i32_0 = arith.constant 0 : i32
    return %arg0, %c0_i32 : i32, i32
  }
  func.func @transform_6(%arg0: i32) -> (i32, i32) {
    %c0_i32 = arith.constant 0 : i32
    %c0_i32_0 = arith.constant 0 : i32
    return %arg0, %c0_i32 : i32, i32
  }
  func.func @transform_7(%arg0: i32) -> (i32, i32) {
    %c0_i32 = arith.constant 0 : i32
    %c0_i32_0 = arith.constant 0 : i32
    return %arg0, %c0_i32 : i32, i32
  }
}

module attributes {stable_mosaic.version = 14 : i64} {
  func.func @_tc_mid_body(%arg0: i32, %arg1: memref<1000x16xf32, #tpu.memory_space<vmem>>, %arg2: memref<1000x16xf32, #tpu.memory_space<vmem>>, %arg3: memref<1000x16xf32, #tpu.memory_space<vmem>>, %arg4: memref<1000x16xf32, #tpu.memory_space<vmem>>, %arg5: memref<1000x16xf32, #tpu.memory_space<vmem>>, %arg6: memref<1000x16xf32, #tpu.memory_space<vmem>>) attributes {dimension_semantics = [#tpu.dimension_semantics<arbitrary>], iteration_bounds = array<i64: 10>, scalar_prefetch = 0 : i64, scratch_operands = 0 : i64, tpu.core_type = #tpu.core_type<tc>, window_params = [{transform_indices = @transform_0, window_bounds = array<i64: 1000, 16>}, {transform_indices = @transform_1, window_bounds = array<i64: 1000, 16>}, {transform_indices = @transform_2, window_bounds = array<i64: 1000, 16>}, {transform_indices = @transform_3, window_bounds = array<i64: 1000, 16>}, {transform_indices = @transform_4, window_bounds = array<i64: 1000, 16>}, {transform_indices = @transform_5, window_bounds = array<i64: 1000, 16>}]} {
    %get3A = arith.constant 0 : index
    %get3A_0 = arith.constant 0 : index
    %get3A_1 = vector.load %arg4[%get3A, %get3A_0] : memref<1000x16xf32, #tpu.memory_space<vmem>>, vector<1000x16xf32>
    %get3A_2 = arith.constant 0 : index
    %get3A_3 = arith.constant 0 : index
    %get3A_4 = vector.load %arg1[%get3A_2, %get3A_3] : memref<1000x16xf32, #tpu.memory_space<vmem>>, vector<1000x16xf32>
    %get3A_5 = arith.constant 0 : index
    %get3A_6 = arith.constant 0 : index
    %get3A_7 = vector.load %arg2[%get3A_5, %get3A_6] : memref<1000x16xf32, #tpu.memory_space<vmem>>, vector<1000x16xf32>
    %get3A_8 = arith.constant 0 : index
    %get3A_9 = arith.constant 0 : index
    %get3A_10 = vector.load %arg3[%get3A_8, %get3A_9] : memref<1000x16xf32, #tpu.memory_space<vmem>>, vector<1000x16xf32>
    %add3A = arith.addf %get3A_7, %get3A_10 : vector<1000x16xf32>
    %mul3A = arith.mulf %get3A_1, %add3A : vector<1000x16xf32>
    %sub3A = arith.subf %get3A_4, %mul3A : vector<1000x16xf32>
    %max3A = arith.constant 0.000000e+00 : f32
    %max3A_11 = vector.broadcast %max3A : f32 to vector<1000x16xf32>
    %max3A_12 = arith.maximumf %sub3A, %max3A_11 : vector<1000x16xf32>
    %swap3A = arith.constant 0 : index
    %swap3A_13 = arith.constant 0 : index
    %swap3A_14 = vector.load %arg5[%swap3A, %swap3A_13] : memref<1000x16xf32, #tpu.memory_space<vmem>>, vector<1000x16xf32>
    tpu.vector_store %arg5[%swap3A, %swap3A_13], %max3A_12 {strides = array<i32>} : memref<1000x16xf32, #tpu.memory_space<vmem>>, vector<1000x16xf32>,
    %mul3A_15 = arith.mulf %get3A_1, %max3A_12 : vector<1000x16xf32>
    %swap3A_16 = arith.constant 0 : index
    %swap3A_17 = arith.constant 0 : index
    %swap3A_18 = vector.load %arg6[%swap3A_16, %swap3A_17] : memref<1000x16xf32, #tpu.memory_space<vmem>>, vector<1000x16xf32>
    tpu.vector_store %arg6[%swap3A_16, %swap3A_17], %mul3A_15 {strides = array<i32>} : memref<1000x16xf32, #tpu.memory_space<vmem>>, vector<1000x16xf32>,
    return
  }
  func.func @transform_0(%arg0: i32) -> (i32, i32) {
    %c0_i32 = arith.constant 0 : i32
    %c0_i32_0 = arith.constant 0 : i32
    return %arg0, %c0_i32 : i32, i32
  }
  func.func @transform_1(%arg0: i32) -> (i32, i32) {
    %c0_i32 = arith.constant 0 : i32
    %c0_i32_0 = arith.constant 0 : i32
    return %arg0, %c0_i32 : i32, i32
  }
  func.func @transform_2(%arg0: i32) -> (i32, i32) {
    %c0_i32 = arith.constant 0 : i32
    %c0_i32_0 = arith.constant 0 : i32
    return %arg0, %c0_i32 : i32, i32
  }
  func.func @transform_3(%arg0: i32) -> (i32, i32) {
    %c0_i32 = arith.constant 0 : i32
    %c0_i32_0 = arith.constant 0 : i32
    return %arg0, %c0_i32 : i32, i32
  }
  func.func @transform_4(%arg0: i32) -> (i32, i32) {
    %c0_i32 = arith.constant 0 : i32
    %c0_i32_0 = arith.constant 0 : i32
    return %arg0, %c0_i32 : i32, i32
  }
  func.func @transform_5(%arg0: i32) -> (i32, i32) {
    %c0_i32 = arith.constant 0 : i32
    %c0_i32_0 = arith.constant 0 : i32
    return %arg0, %c0_i32 : i32, i32
  }
}

module attributes {stable_mosaic.version = 14 : i64} {
  func.func @_tc_out_body(%arg0: i32, %arg1: memref<1000x16xf32, #tpu.memory_space<vmem>>, %arg2: memref<1000x16xf32, #tpu.memory_space<vmem>>, %arg3: memref<1000x16xf32, #tpu.memory_space<vmem>>, %arg4: memref<1000x16xf32, #tpu.memory_space<vmem>>, %arg5: memref<16x64xf32, #tpu.memory_space<vmem>>, %arg6: memref<16x64xf32, #tpu.memory_space<vmem>>, %arg7: memref<1x64xf32, #tpu.memory_space<vmem>>, %arg8: memref<1000x64xf32, #tpu.memory_space<vmem>>) attributes {dimension_semantics = [#tpu.dimension_semantics<arbitrary>], iteration_bounds = array<i64: 10>, scalar_prefetch = 0 : i64, scratch_operands = 0 : i64, tpu.core_type = #tpu.core_type<tc>, window_params = [{transform_indices = @transform_0, window_bounds = array<i64: 1000, 16>}, {transform_indices = @transform_1, window_bounds = array<i64: 1000, 16>}, {transform_indices = @transform_2, window_bounds = array<i64: 1000, 16>}, {transform_indices = @transform_3, window_bounds = array<i64: 1000, 16>}, {pipeline_mode = #tpu.pipeline_mode<synchronous>, transform_indices = @transform_4, window_bounds = array<i64: 16, 64>}, {pipeline_mode = #tpu.pipeline_mode<synchronous>, transform_indices = @transform_5, window_bounds = array<i64: 16, 64>}, {pipeline_mode = #tpu.pipeline_mode<synchronous>, transform_indices = @transform_6, window_bounds = array<i64: 1, 64>}, {transform_indices = @transform_7, window_bounds = array<i64: 1000, 64>}]} {
    %get3A = arith.constant 0 : index
    %get3A_0 = arith.constant 0 : index
    %get3A_1 = vector.load %arg4[%get3A, %get3A_0] : memref<1000x16xf32, #tpu.memory_space<vmem>>, vector<1000x16xf32>
    %get3A_2 = arith.constant 0 : index
    %get3A_3 = arith.constant 0 : index
    %get3A_4 = vector.load %arg2[%get3A_2, %get3A_3] : memref<1000x16xf32, #tpu.memory_space<vmem>>, vector<1000x16xf32>
    %get3A_5 = arith.constant 0 : index
    %get3A_6 = arith.constant 0 : index
    %get3A_7 = vector.load %arg3[%get3A_5, %get3A_6] : memref<1000x16xf32, #tpu.memory_space<vmem>>, vector<1000x16xf32>
    %add3A = arith.addf %get3A_4, %get3A_7 : vector<1000x16xf32>
    %mul3A = arith.mulf %get3A_1, %add3A : vector<1000x16xf32>
    %get3A_8 = arith.constant 0 : index
    %get3A_9 = arith.constant 0 : index
    %get3A_10 = vector.load %arg1[%get3A_8, %get3A_9] : memref<1000x16xf32, #tpu.memory_space<vmem>>, vector<1000x16xf32>
    %get3A_11 = arith.constant 0 : index
    %get3A_12 = arith.constant 0 : index
    %get3A_13 = vector.load %arg5[%get3A_11, %get3A_12] : memref<16x64xf32, #tpu.memory_space<vmem>>, vector<16x64xf32>
    %dot_general3A = arith.constant dense<0.000000e+00> : vector<1000x64xf32>
    %dot_general3A_14 = tpu.matmul %get3A_10, %get3A_13, %dot_general3A {dimension_numbers = #tpu.dot_dimension_numbers<[1], [0], [0], [1], [0, 0, 1, 1], [], []>, transpose_lhs_hint = false} : vector<1000x16xf32>, vector<16x64xf32>, vector<1000x64xf32> -> vector<1000x64xf32>
    %get3A_15 = arith.constant 0 : index
    %get3A_16 = arith.constant 0 : index
    %get3A_17 = vector.load %arg6[%get3A_15, %get3A_16] : memref<16x64xf32, #tpu.memory_space<vmem>>, vector<16x64xf32>
    %dot_general3A_18 = arith.constant dense<0.000000e+00> : vector<1000x64xf32>
    %dot_general3A_19 = tpu.matmul %mul3A, %get3A_17, %dot_general3A_18 {dimension_numbers = #tpu.dot_dimension_numbers<[1], [0], [0], [1], [0, 0, 1, 1], [], []>, transpose_lhs_hint = false} : vector<1000x16xf32>, vector<16x64xf32>, vector<1000x64xf32> -> vector<1000x64xf32>
    %sub3A = arith.subf %dot_general3A_14, %dot_general3A_19 : vector<1000x64xf32>
    %get3A_20 = arith.constant 0 : index
    %get3A_21 = arith.constant 0 : index
    %get3A_22 = vector.load %arg7[%get3A_20, %get3A_21] : memref<1x64xf32, #tpu.memory_space<vmem>>, vector<1x64xf32>
    %add3A_23 = vector.broadcast %get3A_22 : vector<1x64xf32> to vector<1000x64xf32>
    %add3A_24 = arith.addf %sub3A, %add3A_23 : vector<1000x64xf32>
    %reduce_max3A = arith.constant dense<0xFF800000> : vector<1000xf32>
    %reduce_max3A_25 = vector.multi_reduction <maximumf>, %add3A_24, %reduce_max3A [1] : vector<1000x64xf32> to vector<1000xf32>
    %broadcast_in_dim3A = vector.shape_cast %reduce_max3A_25 : vector<1000xf32> to vector<1000x1xf32>
    %sub3A_26 = vector.broadcast %broadcast_in_dim3A : vector<1000x1xf32> to vector<1000x64xf32>
    %sub3A_27 = arith.subf %add3A_24, %sub3A_26 : vector<1000x64xf32>
    %exp3A = math.exp %sub3A_27 : vector<1000x64xf32>
    %sub3A_28 = vector.broadcast %broadcast_in_dim3A : vector<1000x1xf32> to vector<1000x64xf32>
    %sub3A_29 = arith.subf %add3A_24, %sub3A_28 : vector<1000x64xf32>
    %reduce_sum3A = arith.constant dense<0.000000e+00> : vector<1000xf32>
    %reduce_sum3A_30 = vector.multi_reduction <add>, %exp3A, %reduce_sum3A [1] : vector<1000x64xf32> to vector<1000xf32>
    %broadcast_in_dim3A_31 = vector.shape_cast %reduce_sum3A_30 : vector<1000xf32> to vector<1000x1xf32>
    %log3A = math.log %broadcast_in_dim3A_31 : vector<1000x1xf32>
    %sub3A_32 = vector.broadcast %log3A : vector<1000x1xf32> to vector<1000x64xf32>
    %sub3A_33 = arith.subf %sub3A_29, %sub3A_32 : vector<1000x64xf32>
    %swap3A = arith.constant 0 : index
    %swap3A_34 = arith.constant 0 : index
    %swap3A_35 = vector.load %arg8[%swap3A, %swap3A_34] : memref<1000x64xf32, #tpu.memory_space<vmem>>, vector<1000x64xf32>
    tpu.vector_store %arg8[%swap3A, %swap3A_34], %sub3A_33 {strides = array<i32>} : memref<1000x64xf32, #tpu.memory_space<vmem>>, vector<1000x64xf32>,
    return
  }
  func.func @transform_0(%arg0: i32) -> (i32, i32) {
    %c0_i32 = arith.constant 0 : i32
    %c0_i32_0 = arith.constant 0 : i32
    return %arg0, %c0_i32 : i32, i32
  }
  func.func @transform_1(%arg0: i32) -> (i32, i32) {
    %c0_i32 = arith.constant 0 : i32
    %c0_i32_0 = arith.constant 0 : i32
    return %arg0, %c0_i32 : i32, i32
  }
  func.func @transform_2(%arg0: i32) -> (i32, i32) {
    %c0_i32 = arith.constant 0 : i32
    %c0_i32_0 = arith.constant 0 : i32
    return %arg0, %c0_i32 : i32, i32
  }
  func.func @transform_3(%arg0: i32) -> (i32, i32) {
    %c0_i32 = arith.constant 0 : i32
    %c0_i32_0 = arith.constant 0 : i32
    return %arg0, %c0_i32 : i32, i32
  }
  func.func @transform_4(%arg0: i32) -> (i32, i32) {
    %c0_i32 = arith.constant 0 : i32
    %c0_i32_0 = arith.constant 0 : i32
    %c0_i32_1 = arith.constant 0 : i32
    return %c0_i32, %c0_i32_0 : i32, i32
  }
  func.func @transform_5(%arg0: i32) -> (i32, i32) {
    %c0_i32 = arith.constant 0 : i32
    %c0_i32_0 = arith.constant 0 : i32
    %c0_i32_1 = arith.constant 0 : i32
    return %c0_i32, %c0_i32_0 : i32, i32
  }
  func.func @transform_6(%arg0: i32) -> (i32, i32) {
    %c0_i32 = arith.constant 0 : i32
    %c0_i32_0 = arith.constant 0 : i32
    %c0_i32_1 = arith.constant 0 : i32
    return %c0_i32, %c0_i32_0 : i32, i32
  }
  func.func @transform_7(%arg0: i32) -> (i32, i32) {
    %c0_i32 = arith.constant 0 : i32
    %c0_i32_0 = arith.constant 0 : i32
    return %arg0, %c0_i32 : i32, i32
  }
}

</mosaic_0001>

<sc_bundles>
// kernel: kernel.11.cloned.1.call-start
scs
__scs_entry_jumppad:
0x0: {  	(pc) =	sbr.rel $0x88, $3  }
0x1: {  	(tag) =	ssettag $0x0;
	lr =	simm.s32 $0x1  }
0x2: {  	[smem:$0x3F99] =	sst lr;
	_ =	strace $0xD0000000  }
0x3: {  	_ = 	snop  }
0x4: {  	_ = 	snop  }
0x5: {  	_ = 	snop  }
0x6: {  	_ = 	snop  }
0x7: {  	_ = 	snop  }
__scs_overlays_trampoline_lowered:
0x8: {  	[smem:$0x3FA8] =	sst s0  }
0x9: {  	[smem:$0x3FA9] =	sst s1  }
0xa: {  	[smem:$0x3FAA] =	sst s2  }
0xb: {  	[smem:$0x3FAB] =	sst s3  }
0xc: {  	[smem:$0x3FAC] =	sst s4  }
0xd: {  	[smem:$0x3FAD] =	sst s5  }
0xe: {  	[smem:$0x3FAE] =	sst s6  }
0xf: {  	[smem:$0x3FAF] =	sst s7  }
0x10: {  	[smem:$0x3FB0] =	sst s8  }
0x11: {  	[smem:$0x3FB1] =	sst s9;
	s0 =	simm.s32 @!p0 $0x0  }
0x12: {  	s1 =	sld [smem:$0x3F97];
	s0 =	simm.s32 @p0 $0x1  }
0x13: {  	[smem:$0x3FB2] =	sst s0;
	s0 =	simm.s32 @!p1 $0x0  }
0x14: {  	s2 =	sld [smem:$0x3F96];
	s0 =	simm.s32 @p1 $0x1  }
0x15: {  	[smem:$0x3FB3] =	sst s0;
	s0 =	simm.s32 @!p2 $0x0  }
0x16: {  	s3 =	sld [smem:$0x3FDB];
	s0 =	simm.s32 @p2 $0x1  }
0x17: {  	s4 =	simm.s32 $0x1BF5;
	[smem:$0x3FB5] =	sst s0  }
0x18: {  	s0 =	sld [smem:$0x3F98];
	_ =	swait.ge [sflag:s4], $0x0  }
0x19: {  	s7 =	sld [smem:$0x3F99]  }
0x1a: {  	s8 =	sadd.s32 $0xFFFFE003, lr  }
0x1b: {  	s9 =	sadd.s32 $0xFFFFFEF7, lr;
	s5 =	simm.s32 $0xFFFFFFFF;
	p2 =	slt.u32 s8, $0xFFFFF086  }
0x1c: {  	p1 =	slt.u32 s9, $0xF7A;
	s5 =	simm.s32 @!p2 $0x0  }
0x1d: {  	s5 =	simm.s32 @p1 $0x1;
	p0 =	seq.s32 s7, s2  }
0x1e: {  	s7 =	smul.u32 @!p0 $0xF7A, s2;
	p2 =	seq.s32 @!p0 s5, $0x0  }
0x1f: {  	s9 =	smul.u32 $0xF7A, s1;
	s8 =	simm.s32 @!p0 $0x1BF5;
	p2 =	por !p2, p0  }
0x20: {  	[sflag:s8] =	ssyncset.s32 @!p0 $0xFFFFF086;
	s6 =	sadd.s32 @!p0 s3, s7;
	s7 =	simm.s32 @!p0 $0x108  }
0x21: {  	s3 =	sadd.s32 s3, s9;
	s6 =	sadd.s32 @!p0 $0x88, s6;
	s7 =	simm.s32 @p2 $0x1082  }
0x22: {  	[simem:s7], [sflag:s8] =	dma.local @!p0 [hbm:s6], $0xF7A  }
0x23: {  	s9 =	sor.u32 $0xD0000000, s2;
	s6 =	simm.s32 $0x108;
	_ =	swait.ge @!p0 [sflag:s8], $0x0  }
0x24: {  	s3 =	sadd.s32 $0x88, s3;
	s6 =	simm.s32 @!p1 $0x1082;
	[sflag:s4] =	ssyncset.s32 $0xFFFFF086  }
0x25: {  	[simem:s6], [sflag:s4] =	dma.local [hbm:s3], $0xF7A  }
0x26: {  	[smem:$0x3F99] =	sst s1;
	(tag) =	ssettag s2;
	_ =	strace s9  }
0x27: {  	s1 =	sld [smem:$0x3FA9]  }
0x28: {  	s2 =	sld [smem:$0x3FAA]  }
0x29: {  	s4 =	sld [smem:$0x3FAC]  }
0x2a: {  	p0 =	seq.s32 s5, $0x0;
	s5 =	sld [smem:$0x3FAD]  }
0x2b: {  	s6 =	sld [smem:$0x3FAE]  }
0x2c: {  	s7 =	sld [smem:$0x3FAF]  }
0x2d: {  	s3 =	simm.s32 $0x108;
	s8 =	sld [smem:$0x3FB0]  }
0x2e: {  	s3 =	simm.s32 @!p0 $0x1082;
	s9 =	sld [smem:$0x3FB1]  }
0x2f: {  	lr =	sadd.s32 s0, s3;
	s0 =	sld [smem:$0x3FA8]  }
0x30: {  	s3 =	sld [smem:$0x3FAB]  }
0x31: {  	[smem:$0x3FB4] =	sst s10  }
0x32: {  	s10 =	sld [smem:$0x3FB2];
	_ =	sdelay $0x3  }
0x33: {  	p0 =	seq.s32 s10, $0x1;
	s10 =	sld [smem:$0x3FB4];
	_ =	sdelay $0x3  }
0x34: {  	[smem:$0x3FB4] =	sst s10  }
0x35: {  	s10 =	sld [smem:$0x3FB3];
	_ =	sdelay $0x3  }
0x36: {  	p1 =	seq.s32 s10, $0x1;
	s10 =	sld [smem:$0x3FB4];
	_ =	sdelay $0x3  }
0x37: {  	[smem:$0x3FB4] =	sst s10  }
0x38: {  	s10 =	sld [smem:$0x3FB5]  }
0x39: {  	_ = 	snop;
	(pc) =	sbr.ind lr, $3  }
0x3a: {  	_ = 	snop  }
0x3b: {  	_ = 	snop  }
0x3c: {  	p2 =	seq.s32 s10, $0x1;
	s10 =	sld [smem:$0x3FB4]  }
0x3d: {  	_ =	shalt  }
0x3e: {  	_ =	shalt  }
0x3f: {  	_ =	shalt  }
0x40: {  	_ =	shalt  }
0x41: {  	_ =	shalt  }
0x42: {  	_ =	shalt  }
0x43: {  	_ =	shalt  }
0x44: {  	_ =	shalt  }
0x45: {  	_ =	shalt  }
0x46: {  	_ =	shalt  }
0x47: {  	_ =	shalt  }
0x48: {  	_ =	shalt  }
0x49: {  	_ =	shalt  }
0x4a: {  	_ =	shalt  }
0x4b: {  	_ =	shalt  }
0x4c: {  	_ =	shalt  }
0x4d: {  	_ =	shalt  }
0x4e: {  	_ =	shalt  }
0x4f: {  	_ =	shalt  }
0x50: {  	_ =	shalt  }
0x51: {  	_ =	shalt  }
0x52: {  	_ =	shalt  }
0x53: {  	_ =	shalt  }
0x54: {  	_ =	shalt  }
0x55: {  	_ =	shalt  }
0x56: {  	_ =	shalt  }
0x57: {  	_ =	shalt  }
0x58: {  	_ =	shalt  }
0x59: {  	_ =	shalt  }
0x5a: {  	_ =	shalt  }
0x5b: {  	_ =	shalt  }
0x5c: {  	_ =	shalt  }
0x5d: {  	_ =	shalt  }
0x5e: {  	_ =	shalt  }
0x5f: {  	_ =	shalt  }
0x60: {  	_ =	shalt  }
0x61: {  	_ =	shalt  }
0x62: {  	_ =	shalt  }
0x63: {  	_ =	shalt  }
0x64: {  	_ =	shalt  }
0x65: {  	_ =	shalt  }
0x66: {  	_ =	shalt  }
0x67: {  	_ =	shalt  }
0x68: {  	_ =	shalt  }
0x69: {  	_ =	shalt  }
0x6a: {  	_ =	shalt  }
0x6b: {  	_ =	shalt  }
0x6c: {  	_ =	shalt  }
0x6d: {  	_ =	shalt  }
0x6e: {  	_ =	shalt  }
0x6f: {  	_ =	shalt  }
0x70: {  	_ =	shalt  }
0x71: {  	_ =	shalt  }
0x72: {  	_ =	shalt  }
0x73: {  	_ =	shalt  }
0x74: {  	_ =	shalt  }
0x75: {  	_ =	shalt  }
0x76: {  	_ =	shalt  }
0x77: {  	_ =	shalt  }
0x78: {  	_ =	shalt  }
0x79: {  	_ =	shalt  }
0x7a: {  	_ =	shalt  }
0x7b: {  	_ =	shalt  }
0x7c: {  	_ =	shalt  }
0x7d: {  	_ =	shalt  }
0x7e: {  	_ =	shalt  }
0x7f: {  	_ =	shalt  }
0x80: {  	_ =	shalt  }
0x81: {  	_ =	shalt  }
0x82: {  	_ =	shalt  }
0x83: {  	_ =	shalt  }
0x84: {  	_ =	shalt  }
0x85: {  	_ =	shalt  }
0x86: {  	_ =	shalt  }
0x87: {  	_ =	shalt  }
.Lfunc_end0:
.L_simem_size_0:
called_computation.1_lowered:
.L_overlay_start_0:
0x88: {  	s2 =	sld [smem:$0x3FD9]  }
0x89: {  	s3 =	sld [smem:$0x3FFE];
	_ =	sdelay $0x1  }
0x8a: {  	s1 =	srdreg.scid  }
0x8b: {  	s0 =	sand.u32 $0x1, s1  }
0x8c: {  	s17 =	sshll.u32 s0, $0xA;
	s2 =	sadd.s32 s3, s2  }
0x8d: {  	s2 =	sadd.s32 s2, s17  }
0x8e: {  	[smem:$0x3FC0] =	sst s2  }
0x8f: {  	_ = 	snop  }
0x90: {  	s2 =	sld [smem:$0x3FD0];
	(tm) =	ssettm $0x1  }
0x91: {  	s18 =	sld [smem:$0x3FFB];
	_ =	sdelay $0x3  }
0x92: {  	_ =	strace s18  }
0x93: {  	s3 =	sld [smem:$0x3FFC];
	_ =	sdelay $0x3  }
0x94: {  	_ =	strace s3  }
0x95: {  	s3 =	sld [smem:$0x3FFD];
	_ =	sdelay $0x3  }
0x96: {  	_ =	strace s3  }
0x97: {  	_ =	strace $0x8FFFFFFF  }
0x98: {  	s19 =	sld [smem:$0x3FDB];
	_ =	sdelay $0x1  }
0x99: {  	s4 =	simm.s32 $_scs_section_size  }
0x9a: {  	s5 =	simm.s32 $_size__tile_overlayer_lowered;
	s6 =	simm.s32 $_tile_overlayer_lowered  }
0x9b: {  	s22 =	simm.s32 $0x1BFF;
	s21 =	sshll.u32 s6, $0x1;
	s3 =	sadd.s32 s4, s19  }
0x9c: {  	s7 =	simm.s32 $0x0;
	s20 =	sshll.u32 s5, $0x1;
	s5 =	sadd.s32 s21, s3  }
0x9d: {  	[timem:s7], [sflag:s22] =	dma.local [hbm:s5], s20  }
0x9e: {  	_ =	swait.ge [sflag:s22], s20  }
0x9f: {  	s4 =	ssub.s32 $0x0, s20;
	[sflag:s22] =	ssyncset.done $0x0  }
0xa0: {  	[sflag:s22] =	ssyncadd.s32 s4;
	_ =	sdelay $0x1  }
0xa1: {  	s23 =	simm.s32 $0x1B8B  }
0xa2: {  	_ =	swait.ge [sflag:s23], $0x1  }
0xa3: {  	[sflag:s23] =	ssyncset.done $0x0  }
0xa4: {  	s25 =	simm.s32 $0x1B8E;
	s24 =	sld [smem:$0x3FFE];
	[sflag:s23] =	ssyncadd.s32 $0xFFFFFFFF  }
0xa5: {  	s26 =	simm.s32 $execute0_lowered;
	[smem:$0x3FD2] =	sst s25  }
0xa6: {  	s5 =	sshll.u32 s26, $0x1;
	_ =	strace $0x80000049;
	[dreg:$0x1] =	wrdreg $0xFFFFFFFF  }
0xa7: {  	s28 =	simm.s32 $_size_execute0_lowered;
	s3 =	sadd.s32 s3, s5;
	[dreg:$0x0] =	wrdreg $0x0  }
0xa8: {  	s5 =	sshll.u32 s28, $0x1;
	[dreg:$0x2] =	wrdreg s3  }
0xa9: {  	[dreg:$0x3] =	wrdreg s5  }
0xaa: {  	[dreg:$0x4] =	wrdreg $0xC0  }
0xab: {  	_ =	task [dreg:s7], $0x5FFFF  }
0xac: {  	[dreg:$0x1] =	wrdreg $0xFFFFFFFF  }
0xad: {  	[dreg:$0x0] =	wrdreg $0x60  }
0xae: {  	[dreg:$0x2] =	wrdreg s24  }
0xaf: {  	[dreg:$0x3] =	wrdreg s2  }
0xb0: {  	[dreg:$0x4] =	wrdreg $0x30000  }
0xb1: {  	[dreg:$0x5] =	wrdreg $0x9  }
0xb2: {  	_ =	task.clear_ibuf [dreg:s7], $0x6FFFF;
	_ =	strace $0x90000049  }
0xb3: {  	s29 =	simm.s32 $0x9;
	_ =	strace $0x8000004B  }
0xb4: {  	_ =	swait.ge [sflag:s29], $0x1  }
0xb5: {  	[sflag:s29] =	ssyncadd.s32 $0xFFFFFFFF  }
0xb6: {  	_ =	strace $0x9000004B  }
0xb7: {  	_ =	sfence  }
0xb8: {  	s30 =	sld [smem:$0x0];
	_ =	sdelay $0x2  }
0xb9: {  	s31 =	sshll.u32 s1, $0xD;
	s1 =	sshrl.u32 s1, $0x2  }
0xba: {  	s3 =	sand.u32 $0x4000, s31;
	s1 =	sadd.s32 s1, s30  }
0xbb: {  	s0 =	sor.u32 s3, s0;
	s1 =	sshll.u32 s1, $0x11  }
0xbc: {  	s0 =	sor.u32 s1, s0  }
0xbd: {  	s0 =	sadd.s32 $0x8F2B, s0  }
0xbe: {  	[sflag:s0] =	ssyncadd.remote.s32 $0x1  }
0xbf: {  	_ =	sfence.sel $0xFFFF  }
0xc0: {  	[dreg:$0x0] =	wrdreg $0xFFFFFFFF;
	(pc) =	sbr.abs _section_cstart, $3  }
0xc1: {  	[dreg:$0x1] =	wrdreg $0xFFFFFFFF  }
0xc2: {  	_ =	task.clear_ibuf [dreg:s7], $0x2FFFF;
	_ =	strace $0x9FFFFFFF  }
0xc3: {  	(tm) =	ssettm $0x7FFFFFFF  }
tec
execute0_lowered:
.L_overlay_start_1:
0x0: {  	(tag) =	ssettag $0x1  }
0x1: {  	s5 =	rddreg [dreg:$0x0]  }
0x2: {  	s1 =	srdreg.scid;
	s8 =	rddreg [dreg:$0x1]  }
0x3: {  	s0 =	stileid.u32;
	s2 =	rddreg [dreg:$0x2]  }
0x4: {  	s3 =	simm.s32 $0x0;
	s14 =	simm.s32 $0x2800;
	s15 =	simm.s32 $0x1  }
0x5: {  	s6 =	sand.u32 $0x1, s1;
	s29 =	sshll.u32 s0, $0x1;
	s1 =	rddreg [dreg:$0x3]  }
0x6: {  	[smem:$0x7FF] =	sst s3;
	s7 =	smul.u32 $0x2800, s0;
	s31 =	sshll.u32 s0, $0x6  }
0x7: {  	s4 =	sor.u32 s6, s29;
	_ =	strace $0x8000004A;
	s12 =	smul.u32 $0x5000, s6  }
0x8: {  	s10 =	ssub.s32 $0x2, s6;
	s4 =	smul.u32 $0x280, s4;
	s16 =	sshrl.u32 s7, $0x3  }
0x9: {  	s30 =	sshrl.u32 s10, $0x1;
	s13 =	sadd.s32 s7, s2;
	s11 =	sadd.s32 s16, s5  }
0xa: {  	s10 =	ssub.s32 s10, s30;
	s17 =	sadd.s32 s8, s12;
	s12 =	sshrl.u32 s13, $0x3  }
0xb: {  	s13 =	simm.s32 $0x80;
	s9 =	sadd.s32 s4, s5;
	s4 =	sadd.s32 $0x38000, s5  }
0xc: {  	s7 =	sadd.s32 $0x6E00, s11;
	s8 =	smax.u32 s10, $0x1;
	s10 =	simm.s32 $0x1400  }
0xd: {  	s11 =	sor.u32 $0x1C02, s31;
	s16 =	sadd.s32 s16, s17;
	s17 =	simm.s32 $0x0  }
0xe: {  	s5 =	sadd.s32 $0x1C00, s9;
	s6 =	sadd.s32 $0xBE00, s9;
	s9 =	simm.s32 $0x2  }
.LBB2_1:
0xf: {  	[tilespmem:s3], [sflag:$0x2] =	stream.linear.gather [hbm4b:s5+s3], $0x1400, $0x38;
	[tilespmem:$0x5800] =	vst v63  }
0x10: {  	_ =	swait.ge [sflag:s9], $0x1400  }
0x11: {  	[sflag:s9] =	ssyncset.done $0x0  }
0x12: {  	[sflag:s9] =	ssyncadd.s32 $0xFFFFEC00  }
0x13: {  	[tilespmem:s10], [sflag:$0x2] =	stream.linear.gather [hbm4b:s6+s3], $0x1400, $0x38;
	[tilespmem:$0x5800] =	vst v63  }
0x14: {  	_ =	swait.ge [sflag:s9], $0x1400  }
0x15: {  	[sflag:s9] =	ssyncset.done $0x0  }
0x16: {  	[sflag:s9] =	ssyncadd.s32 $0xFFFFEC00  }
0x17: {  	[spmem:s12], [sflag:s11] =	dma.local [hbm:s7], $0x500  }
0x18: {  	_ =	swait.ge [sflag:s9], $0x500  }
0x19: {  	[sflag:s9] =	ssyncset.done $0x0  }
0x1a: {  	[sflag:s9] =	ssyncadd.s32 $0xFFFFFB00  }
0x1b: {  	s18 =	simm.s32 $0x0;
	[bflag:$0x0] =	sbarrier.arrive $0xFFFF  }
0x1c: {  	[tilespmem:s14], [sflag:$0x1] =	stream.indirect.gather [hbm4b:s4+s13], $0x10, s18, s13, $0xb8;
	[tilespmem:$0x5800] =	vst v63  }
0x1d: {  	_ =	swait.ge [sflag:s15], $0x800  }
0x1e: {  	[sflag:s15] =	ssyncset.done $0x0  }
0x1f: {  	s31 =	simm.s32 $0x1400;
	[sflag:s15] =	ssyncadd.s32 $0xFFFFF800  }
0x20: {  	[spmem:s2] =	stream.indirect.scatter.add.f32 [tilespmem:s14], [sflag:$0x2], $0x10, s31, s13, $0xb8;
	[tilespmem:$0x5800] =	vst v63  }
0x21: {  	_ =	swait.ge [sflag:s9], $0x800  }
0x22: {  	s19 =	simm.s32 $0x400;
	s18 =	simm.s32 $0x200;
	[sflag:s9] =	ssyncset.done $0x0  }
.LBB2_2:
0x23: {  	s20 =	sshra.s32 s18, $0x2  }
0x24: {  	[sflag:s9] =	ssyncadd.s32 $0xFFFFF800;
	s18 =	smov.u32 s19;
	s21 =	sadd.s32 $0x200, s19  }
0x25: {  	[tilespmem:s14], [sflag:$0x1] =	stream.indirect.gather [hbm4b:s4+s13], $0x10, s20, s13, $0xb8;
	[tilespmem:$0x5800] =	vst v63  }
0x26: {  	p0 =	sne.s32 s19, $0x4E00;
	_ =	swait.ge [sflag:s15], $0x800  }
.Ltmp0:
0x27: {  	[sflag:s15] =	ssyncset.done $0x0;
	(pc) =	sbr.rel @p0 .LBB2_2-.Ltmp0, $4  }
0x28: {  	s19 =	sadd.s32 $0x1400, s20;
	[sflag:s15] =	ssyncadd.s32 $0xFFFFF800  }
0x29: {  	[spmem:s2] =	stream.indirect.scatter.add.f32 [tilespmem:s14], [sflag:$0x2], $0x10, s19, s13, $0xb8;
	[tilespmem:$0x5800] =	vst v63  }
0x2a: {  	_ =	swait.ge [sflag:s9], $0x800  }
0x2b: {  	s19 =	smov.u32 s21;
	[sflag:s9] =	ssyncset.done $0x0  }
0x2c: {  	s18 =	sshra.s32 s18, $0x2;
	[sflag:s9] =	ssyncadd.s32 $0xFFFFF800  }
0x2d: {  	[tilespmem:s14], [sflag:$0x1] =	stream.indirect.gather [hbm4b:s4+s13], $0x10, s18, s13, $0xb8;
	[tilespmem:$0x5800] =	vst v63  }
0x2e: {  	_ =	swait.ge [sflag:s15], $0x800  }
0x2f: {  	[sflag:s15] =	ssyncset.done $0x0  }
0x30: {  	s18 =	sadd.s32 $0x1400, s18;
	[sflag:s15] =	ssyncadd.s32 $0xFFFFF800  }
0x31: {  	[spmem:s2] =	stream.indirect.scatter.add.f32 [tilespmem:s14], [sflag:$0x2], $0x10, s18, s13, $0xb8;
	[tilespmem:$0x5800] =	vst v63  }
0x32: {  	_ =	swait.ge [sflag:s9], $0x800  }
0x33: {  	s17 =	sadd.s32 $0x1, s17;
	[sflag:s9] =	ssyncset.done $0x0  }
0x34: {  	p0 =	sne.s32 s17, s8;
	[sflag:s9] =	ssyncadd.s32 $0xFFFFF800  }
.Ltmp1:
0x35: {  	[bflag:$0x0] =	sbarrier.arrive $0xFFFF;
	(pc) =	sbr.rel @p0 .LBB2_1-.Ltmp1, $4  }
0x36: {  	[hbm:s16], [sflag:s11] =	dma.local [spmem:s12], $0x500  }
0x37: {  	_ =	swait.ge [sflag:s9], $0x500  }
0x38: {  	[sflag:s9] =	ssyncset.done $0x0  }
0x39: {  	[sflag:s9] =	ssyncadd.s32 $0xFFFFFB00  }
0x3a: {  	_ =	sfence.sel $0x180000  }
0x3b: {  	[bflag:$0x0] =	sbarrier.arrive $0xFFFF  }
0x3c: {  	p0 =	sne.s32 s0, $0x0;
	_ =	strace $0x9000004A  }
0x3d: {  	s0 =	sadd.s32 @!p0 $0x100000, s1;
	[bflag:$0x2] =	sbarrier.arrive $0xFFFF  }
0x3e: {  	[sflag:s0] =	ssyncadd.tile.s32 @!p0 $0x1;
	_ =	shalt  }
.Lfunc_end2:
_tile_overlayer_lowered:
.L_overlay_start_2:
0x3f: {  	(tag) =	ssettag $0x2  }
0x40: {  	s0 =	rddreg [dreg:$0x0];
	s2 =	stileid.u32  }
0x41: {  	s1 =	rddreg [dreg:$0x1];
	p0 =	sne.s32 s2, $0x0  }
0x42: {  	s3 =	rddreg [dreg:$0x2];
	[bflag:$0x3] =	sbarrier.arrive $0xFFFF;
	s2 =	simm.s32 @!p0 $0x1C02  }
0x43: {  	[timem:s3], [sflag:s2] =	dma.local @!p0 [hbm:s0], s1  }
0x44: {  	s0 =	simm.s32 @!p0 $0x2  }
0x45: {  	_ =	swait.ge @!p0 [sflag:s0], s1  }
0x46: {  	s1 =	ssub.s32 @!p0 $0x0, s1;
	[sflag:s0] =	ssyncset.done @!p0 $0x0  }
0x47: {  	[sflag:s0] =	ssyncadd.s32 @!p0 s1  }
0x48: {  	[bflag:$0x3] =	sbarrier.arrive $0xFFFF  }
0x49: {  	_ =	shalt  }

// kernel: kernel.14.cloned.1.call-start
scs
__scs_entry_jumppad:
0x0: {  	(pc) =	sbr.rel $0x88, $3  }
0x1: {  	(tag) =	ssettag $0x0;
	lr =	simm.s32 $0x1  }
0x2: {  	[smem:$0x3F99] =	sst lr;
	_ =	strace $0xD0000000  }
0x3: {  	_ = 	snop  }
0x4: {  	_ = 	snop  }
0x5: {  	_ = 	snop  }
0x6: {  	_ = 	snop  }
0x7: {  	_ = 	snop  }
__scs_overlays_trampoline_lowered:
0x8: {  	[smem:$0x3FA8] =	sst s0  }
0x9: {  	[smem:$0x3FA9] =	sst s1  }
0xa: {  	[smem:$0x3FAA] =	sst s2  }
0xb: {  	[smem:$0x3FAB] =	sst s3  }
0xc: {  	[smem:$0x3FAC] =	sst s4  }
0xd: {  	[smem:$0x3FAD] =	sst s5  }
0xe: {  	[smem:$0x3FAE] =	sst s6  }
0xf: {  	[smem:$0x3FAF] =	sst s7  }
0x10: {  	[smem:$0x3FB0] =	sst s8  }
0x11: {  	[smem:$0x3FB1] =	sst s9;
	s0 =	simm.s32 @!p0 $0x0  }
0x12: {  	s1 =	sld [smem:$0x3F97];
	s0 =	simm.s32 @p0 $0x1  }
0x13: {  	[smem:$0x3FB2] =	sst s0;
	s0 =	simm.s32 @!p1 $0x0  }
0x14: {  	s2 =	sld [smem:$0x3F96];
	s0 =	simm.s32 @p1 $0x1  }
0x15: {  	[smem:$0x3FB3] =	sst s0;
	s0 =	simm.s32 @!p2 $0x0  }
0x16: {  	s3 =	sld [smem:$0x3FDB];
	s0 =	simm.s32 @p2 $0x1  }
0x17: {  	s4 =	simm.s32 $0x1BF5;
	[smem:$0x3FB5] =	sst s0  }
0x18: {  	s0 =	sld [smem:$0x3F98];
	_ =	swait.ge [sflag:s4], $0x0  }
0x19: {  	s7 =	sld [smem:$0x3F99]  }
0x1a: {  	s8 =	sadd.s32 $0xFFFFE003, lr  }
0x1b: {  	s9 =	sadd.s32 $0xFFFFFEF7, lr;
	s5 =	simm.s32 $0xFFFFFFFF;
	p2 =	slt.u32 s8, $0xFFFFF086  }
0x1c: {  	p1 =	slt.u32 s9, $0xF7A;
	s5 =	simm.s32 @!p2 $0x0  }
0x1d: {  	s5 =	simm.s32 @p1 $0x1;
	p0 =	seq.s32 s7, s2  }
0x1e: {  	s7 =	smul.u32 @!p0 $0xF7A, s2;
	p2 =	seq.s32 @!p0 s5, $0x0  }
0x1f: {  	s9 =	smul.u32 $0xF7A, s1;
	s8 =	simm.s32 @!p0 $0x1BF5;
	p2 =	por !p2, p0  }
0x20: {  	[sflag:s8] =	ssyncset.s32 @!p0 $0xFFFFF086;
	s6 =	sadd.s32 @!p0 s3, s7;
	s7 =	simm.s32 @!p0 $0x108  }
0x21: {  	s3 =	sadd.s32 s3, s9;
	s6 =	sadd.s32 @!p0 $0x88, s6;
	s7 =	simm.s32 @p2 $0x1082  }
0x22: {  	[simem:s7], [sflag:s8] =	dma.local @!p0 [hbm:s6], $0xF7A  }
0x23: {  	s9 =	sor.u32 $0xD0000000, s2;
	s6 =	simm.s32 $0x108;
	_ =	swait.ge @!p0 [sflag:s8], $0x0  }
0x24: {  	s3 =	sadd.s32 $0x88, s3;
	s6 =	simm.s32 @!p1 $0x1082;
	[sflag:s4] =	ssyncset.s32 $0xFFFFF086  }
0x25: {  	[simem:s6], [sflag:s4] =	dma.local [hbm:s3], $0xF7A  }
0x26: {  	[smem:$0x3F99] =	sst s1;
	(tag) =	ssettag s2;
	_ =	strace s9  }
0x27: {  	s1 =	sld [smem:$0x3FA9]  }
0x28: {  	s2 =	sld [smem:$0x3FAA]  }
0x29: {  	s4 =	sld [smem:$0x3FAC]  }
0x2a: {  	p0 =	seq.s32 s5, $0x0;
	s5 =	sld [smem:$0x3FAD]  }
0x2b: {  	s6 =	sld [smem:$0x3FAE]  }
0x2c: {  	s7 =	sld [smem:$0x3FAF]  }
0x2d: {  	s3 =	simm.s32 $0x108;
	s8 =	sld [smem:$0x3FB0]  }
0x2e: {  	s3 =	simm.s32 @!p0 $0x1082;
	s9 =	sld [smem:$0x3FB1]  }
0x2f: {  	lr =	sadd.s32 s0, s3;
	s0 =	sld [smem:$0x3FA8]  }
0x30: {  	s3 =	sld [smem:$0x3FAB]  }
0x31: {  	[smem:$0x3FB4] =	sst s10  }
0x32: {  	s10 =	sld [smem:$0x3FB2];
	_ =	sdelay $0x3  }
0x33: {  	p0 =	seq.s32 s10, $0x1;
	s10 =	sld [smem:$0x3FB4];
	_ =	sdelay $0x3  }
0x34: {  	[smem:$0x3FB4] =	sst s10  }
0x35: {  	s10 =	sld [smem:$0x3FB3];
	_ =	sdelay $0x3  }
0x36: {  	p1 =	seq.s32 s10, $0x1;
	s10 =	sld [smem:$0x3FB4];
	_ =	sdelay $0x3  }
0x37: {  	[smem:$0x3FB4] =	sst s10  }
0x38: {  	s10 =	sld [smem:$0x3FB5]  }
0x39: {  	_ = 	snop;
	(pc) =	sbr.ind lr, $3  }
0x3a: {  	_ = 	snop  }
0x3b: {  	_ = 	snop  }
0x3c: {  	p2 =	seq.s32 s10, $0x1;
	s10 =	sld [smem:$0x3FB4]  }
0x3d: {  	_ =	shalt  }
0x3e: {  	_ =	shalt  }
0x3f: {  	_ =	shalt  }
0x40: {  	_ =	shalt  }
0x41: {  	_ =	shalt  }
0x42: {  	_ =	shalt  }
0x43: {  	_ =	shalt  }
0x44: {  	_ =	shalt  }
0x45: {  	_ =	shalt  }
0x46: {  	_ =	shalt  }
0x47: {  	_ =	shalt  }
0x48: {  	_ =	shalt  }
0x49: {  	_ =	shalt  }
0x4a: {  	_ =	shalt  }
0x4b: {  	_ =	shalt  }
0x4c: {  	_ =	shalt  }
0x4d: {  	_ =	shalt  }
0x4e: {  	_ =	shalt  }
0x4f: {  	_ =	shalt  }
0x50: {  	_ =	shalt  }
0x51: {  	_ =	shalt  }
0x52: {  	_ =	shalt  }
0x53: {  	_ =	shalt  }
0x54: {  	_ =	shalt  }
0x55: {  	_ =	shalt  }
0x56: {  	_ =	shalt  }
0x57: {  	_ =	shalt  }
0x58: {  	_ =	shalt  }
0x59: {  	_ =	shalt  }
0x5a: {  	_ =	shalt  }
0x5b: {  	_ =	shalt  }
0x5c: {  	_ =	shalt  }
0x5d: {  	_ =	shalt  }
0x5e: {  	_ =	shalt  }
0x5f: {  	_ =	shalt  }
0x60: {  	_ =	shalt  }
0x61: {  	_ =	shalt  }
0x62: {  	_ =	shalt  }
0x63: {  	_ =	shalt  }
0x64: {  	_ =	shalt  }
0x65: {  	_ =	shalt  }
0x66: {  	_ =	shalt  }
0x67: {  	_ =	shalt  }
0x68: {  	_ =	shalt  }
0x69: {  	_ =	shalt  }
0x6a: {  	_ =	shalt  }
0x6b: {  	_ =	shalt  }
0x6c: {  	_ =	shalt  }
0x6d: {  	_ =	shalt  }
0x6e: {  	_ =	shalt  }
0x6f: {  	_ =	shalt  }
0x70: {  	_ =	shalt  }
0x71: {  	_ =	shalt  }
0x72: {  	_ =	shalt  }
0x73: {  	_ =	shalt  }
0x74: {  	_ =	shalt  }
0x75: {  	_ =	shalt  }
0x76: {  	_ =	shalt  }
0x77: {  	_ =	shalt  }
0x78: {  	_ =	shalt  }
0x79: {  	_ =	shalt  }
0x7a: {  	_ =	shalt  }
0x7b: {  	_ =	shalt  }
0x7c: {  	_ =	shalt  }
0x7d: {  	_ =	shalt  }
0x7e: {  	_ =	shalt  }
0x7f: {  	_ =	shalt  }
0x80: {  	_ =	shalt  }
0x81: {  	_ =	shalt  }
0x82: {  	_ =	shalt  }
0x83: {  	_ =	shalt  }
0x84: {  	_ =	shalt  }
0x85: {  	_ =	shalt  }
0x86: {  	_ =	shalt  }
0x87: {  	_ =	shalt  }
.Lfunc_end0:
.L_simem_size_0:
called_computation.2_lowered:
.L_overlay_start_0:
0x88: {  	s2 =	sld [smem:$0x3FD9]  }
0x89: {  	s3 =	sld [smem:$0x3FFE];
	_ =	sdelay $0x1  }
0x8a: {  	s1 =	srdreg.scid  }
0x8b: {  	s0 =	sand.u32 $0x1, s1  }
0x8c: {  	s17 =	sshll.u32 s0, $0xA;
	s2 =	sadd.s32 s3, s2  }
0x8d: {  	s2 =	sadd.s32 s2, s17  }
0x8e: {  	[smem:$0x3FC0] =	sst s2  }
0x8f: {  	_ = 	snop  }
0x90: {  	s2 =	sld [smem:$0x3FD0];
	(tm) =	ssettm $0x1  }
0x91: {  	s18 =	sld [smem:$0x3FFB];
	_ =	sdelay $0x3  }
0x92: {  	_ =	strace s18  }
0x93: {  	s3 =	sld [smem:$0x3FFC];
	_ =	sdelay $0x3  }
0x94: {  	_ =	strace s3  }
0x95: {  	s3 =	sld [smem:$0x3FFD];
	_ =	sdelay $0x3  }
0x96: {  	_ =	strace s3  }
0x97: {  	_ =	strace $0x8FFFFFFF  }
0x98: {  	s19 =	sld [smem:$0x3FDB];
	_ =	sdelay $0x1  }
0x99: {  	s4 =	simm.s32 $_scs_section_size  }
0x9a: {  	s5 =	simm.s32 $_size__tile_overlayer_lowered;
	s6 =	simm.s32 $_tile_overlayer_lowered  }
0x9b: {  	s22 =	simm.s32 $0x1BFF;
	s21 =	sshll.u32 s6, $0x1;
	s3 =	sadd.s32 s4, s19  }
0x9c: {  	s7 =	simm.s32 $0x0;
	s20 =	sshll.u32 s5, $0x1;
	s5 =	sadd.s32 s21, s3  }
0x9d: {  	[timem:s7], [sflag:s22] =	dma.local [hbm:s5], s20  }
0x9e: {  	_ =	swait.ge [sflag:s22], s20  }
0x9f: {  	s4 =	ssub.s32 $0x0, s20;
	[sflag:s22] =	ssyncset.done $0x0  }
0xa0: {  	[sflag:s22] =	ssyncadd.s32 s4;
	_ =	sdelay $0x1  }
0xa1: {  	s23 =	simm.s32 $0x1B8B  }
0xa2: {  	_ =	swait.ge [sflag:s23], $0x1  }
0xa3: {  	[sflag:s23] =	ssyncset.done $0x0  }
0xa4: {  	s25 =	simm.s32 $0x1B8E;
	s24 =	sld [smem:$0x3FFE];
	[sflag:s23] =	ssyncadd.s32 $0xFFFFFFFF  }
0xa5: {  	s26 =	simm.s32 $execute0_lowered;
	[smem:$0x3FD2] =	sst s25  }
0xa6: {  	s5 =	sshll.u32 s26, $0x1;
	_ =	strace $0x8000004C;
	[dreg:$0x1] =	wrdreg $0xFFFFFFFF  }
0xa7: {  	s28 =	simm.s32 $_size_execute0_lowered;
	s3 =	sadd.s32 s3, s5;
	[dreg:$0x0] =	wrdreg $0x0  }
0xa8: {  	s5 =	sshll.u32 s28, $0x1;
	[dreg:$0x2] =	wrdreg s3  }
0xa9: {  	[dreg:$0x3] =	wrdreg s5  }
0xaa: {  	[dreg:$0x4] =	wrdreg $0xC0  }
0xab: {  	_ =	task [dreg:s7], $0x5FFFF  }
0xac: {  	[dreg:$0x1] =	wrdreg $0xFFFFFFFF  }
0xad: {  	[dreg:$0x0] =	wrdreg $0x60  }
0xae: {  	[dreg:$0x2] =	wrdreg s24  }
0xaf: {  	[dreg:$0x3] =	wrdreg s2  }
0xb0: {  	[dreg:$0x4] =	wrdreg $0x30000  }
0xb1: {  	[dreg:$0x5] =	wrdreg $0x9  }
0xb2: {  	_ =	task.clear_ibuf [dreg:s7], $0x6FFFF;
	_ =	strace $0x9000004C  }
0xb3: {  	s29 =	simm.s32 $0x9;
	_ =	strace $0x8000004E  }
0xb4: {  	_ =	swait.ge [sflag:s29], $0x1  }
0xb5: {  	[sflag:s29] =	ssyncadd.s32 $0xFFFFFFFF  }
0xb6: {  	_ =	strace $0x9000004E  }
0xb7: {  	_ =	sfence  }
0xb8: {  	s30 =	sld [smem:$0x0];
	_ =	sdelay $0x2  }
0xb9: {  	s31 =	sshll.u32 s1, $0xD;
	s1 =	sshrl.u32 s1, $0x2  }
0xba: {  	s3 =	sand.u32 $0x4000, s31;
	s1 =	sadd.s32 s1, s30  }
0xbb: {  	s0 =	sor.u32 s3, s0;
	s1 =	sshll.u32 s1, $0x11  }
0xbc: {  	s0 =	sor.u32 s1, s0  }
0xbd: {  	s0 =	sadd.s32 $0x8F2B, s0  }
0xbe: {  	[sflag:s0] =	ssyncadd.remote.s32 $0x1  }
0xbf: {  	_ =	sfence.sel $0xFFFF  }
0xc0: {  	[dreg:$0x0] =	wrdreg $0xFFFFFFFF;
	(pc) =	sbr.abs _section_cstart, $3  }
0xc1: {  	[dreg:$0x1] =	wrdreg $0xFFFFFFFF  }
0xc2: {  	_ =	task.clear_ibuf [dreg:s7], $0x2FFFF;
	_ =	strace $0x9FFFFFFF  }
0xc3: {  	(tm) =	ssettm $0x7FFFFFFF  }
tec
execute0_lowered:
.L_overlay_start_1:
0x0: {  	(tag) =	ssettag $0x1  }
0x1: {  	s5 =	rddreg [dreg:$0x0]  }
0x2: {  	s1 =	srdreg.scid;
	s8 =	rddreg [dreg:$0x1]  }
0x3: {  	s0 =	stileid.u32;
	s2 =	rddreg [dreg:$0x2]  }
0x4: {  	s3 =	simm.s32 $0x0;
	s14 =	simm.s32 $0x2800;
	s15 =	simm.s32 $0x1  }
0x5: {  	s6 =	sand.u32 $0x1, s1;
	s29 =	sshll.u32 s0, $0x1;
	s1 =	rddreg [dreg:$0x3]  }
0x6: {  	[smem:$0x7FF] =	sst s3;
	s7 =	smul.u32 $0x2800, s0;
	s31 =	sshll.u32 s0, $0x6  }
0x7: {  	s4 =	sor.u32 s6, s29;
	_ =	strace $0x8000004D;
	s12 =	smul.u32 $0x5000, s6  }
0x8: {  	s10 =	ssub.s32 $0x2, s6;
	s4 =	smul.u32 $0x280, s4;
	s16 =	sshrl.u32 s7, $0x3  }
0x9: {  	s30 =	sshrl.u32 s10, $0x1;
	s13 =	sadd.s32 s7, s2;
	s11 =	sadd.s32 s16, s5  }
0xa: {  	s10 =	ssub.s32 s10, s30;
	s17 =	sadd.s32 s8, s12;
	s12 =	sshrl.u32 s13, $0x3  }
0xb: {  	s13 =	simm.s32 $0x80;
	s9 =	sadd.s32 s4, s5;
	s4 =	sadd.s32 $0x38000, s5  }
0xc: {  	s7 =	sadd.s32 $0x6E00, s11;
	s8 =	smax.u32 s10, $0x1;
	s10 =	simm.s32 $0x1400  }
0xd: {  	s11 =	sor.u32 $0x1C02, s31;
	s16 =	sadd.s32 s16, s17;
	s17 =	simm.s32 $0x0  }
0xe: {  	s5 =	sadd.s32 $0x1C00, s9;
	s6 =	sadd.s32 $0xBE00, s9;
	s9 =	simm.s32 $0x2  }
.LBB2_1:
0xf: {  	[tilespmem:s3], [sflag:$0x2] =	stream.linear.gather [hbm4b:s5+s3], $0x1400, $0x38;
	[tilespmem:$0x5800] =	vst v63  }
0x10: {  	_ =	swait.ge [sflag:s9], $0x1400  }
0x11: {  	[sflag:s9] =	ssyncset.done $0x0  }
0x12: {  	[sflag:s9] =	ssyncadd.s32 $0xFFFFEC00  }
0x13: {  	[tilespmem:s10], [sflag:$0x2] =	stream.linear.gather [hbm4b:s6+s3], $0x1400, $0x38;
	[tilespmem:$0x5800] =	vst v63  }
0x14: {  	_ =	swait.ge [sflag:s9], $0x1400  }
0x15: {  	[sflag:s9] =	ssyncset.done $0x0  }
0x16: {  	[sflag:s9] =	ssyncadd.s32 $0xFFFFEC00  }
0x17: {  	[spmem:s12], [sflag:s11] =	dma.local [hbm:s7], $0x500  }
0x18: {  	_ =	swait.ge [sflag:s9], $0x500  }
0x19: {  	[sflag:s9] =	ssyncset.done $0x0  }
0x1a: {  	[sflag:s9] =	ssyncadd.s32 $0xFFFFFB00  }
0x1b: {  	s18 =	simm.s32 $0x0;
	[bflag:$0x0] =	sbarrier.arrive $0xFFFF  }
0x1c: {  	[tilespmem:s14], [sflag:$0x1] =	stream.indirect.gather [hbm4b:s4+s13], $0x10, s18, s13, $0xb8;
	[tilespmem:$0x5800] =	vst v63  }
0x1d: {  	_ =	swait.ge [sflag:s15], $0x800  }
0x1e: {  	[sflag:s15] =	ssyncset.done $0x0  }
0x1f: {  	s31 =	simm.s32 $0x1400;
	[sflag:s15] =	ssyncadd.s32 $0xFFFFF800  }
0x20: {  	[spmem:s2] =	stream.indirect.scatter.add.f32 [tilespmem:s14], [sflag:$0x2], $0x10, s31, s13, $0xb8;
	[tilespmem:$0x5800] =	vst v63  }
0x21: {  	_ =	swait.ge [sflag:s9], $0x800  }
0x22: {  	s19 =	simm.s32 $0x400;
	s18 =	simm.s32 $0x200;
	[sflag:s9] =	ssyncset.done $0x0  }
.LBB2_2:
0x23: {  	s20 =	sshra.s32 s18, $0x2  }
0x24: {  	[sflag:s9] =	ssyncadd.s32 $0xFFFFF800;
	s18 =	smov.u32 s19;
	s21 =	sadd.s32 $0x200, s19  }
0x25: {  	[tilespmem:s14], [sflag:$0x1] =	stream.indirect.gather [hbm4b:s4+s13], $0x10, s20, s13, $0xb8;
	[tilespmem:$0x5800] =	vst v63  }
0x26: {  	p0 =	sne.s32 s19, $0x4E00;
	_ =	swait.ge [sflag:s15], $0x800  }
.Ltmp0:
0x27: {  	[sflag:s15] =	ssyncset.done $0x0;
	(pc) =	sbr.rel @p0 .LBB2_2-.Ltmp0, $4  }
0x28: {  	s19 =	sadd.s32 $0x1400, s20;
	[sflag:s15] =	ssyncadd.s32 $0xFFFFF800  }
0x29: {  	[spmem:s2] =	stream.indirect.scatter.add.f32 [tilespmem:s14], [sflag:$0x2], $0x10, s19, s13, $0xb8;
	[tilespmem:$0x5800] =	vst v63  }
0x2a: {  	_ =	swait.ge [sflag:s9], $0x800  }
0x2b: {  	s19 =	smov.u32 s21;
	[sflag:s9] =	ssyncset.done $0x0  }
0x2c: {  	s18 =	sshra.s32 s18, $0x2;
	[sflag:s9] =	ssyncadd.s32 $0xFFFFF800  }
0x2d: {  	[tilespmem:s14], [sflag:$0x1] =	stream.indirect.gather [hbm4b:s4+s13], $0x10, s18, s13, $0xb8;
	[tilespmem:$0x5800] =	vst v63  }
0x2e: {  	_ =	swait.ge [sflag:s15], $0x800  }
0x2f: {  	[sflag:s15] =	ssyncset.done $0x0  }
0x30: {  	s18 =	sadd.s32 $0x1400, s18;
	[sflag:s15] =	ssyncadd.s32 $0xFFFFF800  }
0x31: {  	[spmem:s2] =	stream.indirect.scatter.add.f32 [tilespmem:s14], [sflag:$0x2], $0x10, s18, s13, $0xb8;
	[tilespmem:$0x5800] =	vst v63  }
0x32: {  	_ =	swait.ge [sflag:s9], $0x800  }
0x33: {  	s17 =	sadd.s32 $0x1, s17;
	[sflag:s9] =	ssyncset.done $0x0  }
0x34: {  	p0 =	sne.s32 s17, s8;
	[sflag:s9] =	ssyncadd.s32 $0xFFFFF800  }
.Ltmp1:
0x35: {  	[bflag:$0x0] =	sbarrier.arrive $0xFFFF;
	(pc) =	sbr.rel @p0 .LBB2_1-.Ltmp1, $4  }
0x36: {  	[hbm:s16], [sflag:s11] =	dma.local [spmem:s12], $0x500  }
0x37: {  	_ =	swait.ge [sflag:s9], $0x500  }
0x38: {  	[sflag:s9] =	ssyncset.done $0x0  }
0x39: {  	[sflag:s9] =	ssyncadd.s32 $0xFFFFFB00  }
0x3a: {  	_ =	sfence.sel $0x180000  }
0x3b: {  	[bflag:$0x0] =	sbarrier.arrive $0xFFFF  }
0x3c: {  	p0 =	sne.s32 s0, $0x0;
	_ =	strace $0x9000004D  }
0x3d: {  	s0 =	sadd.s32 @!p0 $0x100000, s1;
	[bflag:$0x2] =	sbarrier.arrive $0xFFFF  }
0x3e: {  	[sflag:s0] =	ssyncadd.tile.s32 @!p0 $0x1;
	_ =	shalt  }
.Lfunc_end2:
_tile_overlayer_lowered:
.L_overlay_start_2:
0x3f: {  	(tag) =	ssettag $0x2  }
0x40: {  	s0 =	rddreg [dreg:$0x0];
	s2 =	stileid.u32  }
0x41: {  	s1 =	rddreg [dreg:$0x1];
	p0 =	sne.s32 s2, $0x0  }
0x42: {  	s3 =	rddreg [dreg:$0x2];
	[bflag:$0x3] =	sbarrier.arrive $0xFFFF;
	s2 =	simm.s32 @!p0 $0x1C02  }
0x43: {  	[timem:s3], [sflag:s2] =	dma.local @!p0 [hbm:s0], s1  }
0x44: {  	s0 =	simm.s32 @!p0 $0x2  }
0x45: {  	_ =	swait.ge @!p0 [sflag:s0], s1  }
0x46: {  	s1 =	ssub.s32 @!p0 $0x0, s1;
	[sflag:s0] =	ssyncset.done @!p0 $0x0  }
0x47: {  	[sflag:s0] =	ssyncadd.s32 @!p0 s1  }
0x48: {  	[bflag:$0x3] =	sbarrier.arrive $0xFFFF  }
0x49: {  	_ =	shalt  }

// kernel: kernel.8.cloned.1.call-start
scs
__scs_entry_jumppad:
0x0: {  	(pc) =	sbr.rel $0x88, $3  }
0x1: {  	(tag) =	ssettag $0x0;
	lr =	simm.s32 $0x1  }
0x2: {  	[smem:$0x3F99] =	sst lr;
	_ =	strace $0xD0000000  }
0x3: {  	_ = 	snop  }
0x4: {  	_ = 	snop  }
0x5: {  	_ = 	snop  }
0x6: {  	_ = 	snop  }
0x7: {  	_ = 	snop  }
__scs_overlays_trampoline_lowered:
0x8: {  	[smem:$0x3FA8] =	sst s0  }
0x9: {  	[smem:$0x3FA9] =	sst s1  }
0xa: {  	[smem:$0x3FAA] =	sst s2  }
0xb: {  	[smem:$0x3FAB] =	sst s3  }
0xc: {  	[smem:$0x3FAC] =	sst s4  }
0xd: {  	[smem:$0x3FAD] =	sst s5  }
0xe: {  	[smem:$0x3FAE] =	sst s6  }
0xf: {  	[smem:$0x3FAF] =	sst s7  }
0x10: {  	[smem:$0x3FB0] =	sst s8  }
0x11: {  	[smem:$0x3FB1] =	sst s9;
	s0 =	simm.s32 @!p0 $0x0  }
0x12: {  	s1 =	sld [smem:$0x3F97];
	s0 =	simm.s32 @p0 $0x1  }
0x13: {  	[smem:$0x3FB2] =	sst s0;
	s0 =	simm.s32 @!p1 $0x0  }
0x14: {  	s2 =	sld [smem:$0x3F96];
	s0 =	simm.s32 @p1 $0x1  }
0x15: {  	[smem:$0x3FB3] =	sst s0;
	s0 =	simm.s32 @!p2 $0x0  }
0x16: {  	s3 =	sld [smem:$0x3FDB];
	s0 =	simm.s32 @p2 $0x1  }
0x17: {  	s4 =	simm.s32 $0x1BF5;
	[smem:$0x3FB5] =	sst s0  }
0x18: {  	s0 =	sld [smem:$0x3F98];
	_ =	swait.ge [sflag:s4], $0x0  }
0x19: {  	s7 =	sld [smem:$0x3F99]  }
0x1a: {  	s8 =	sadd.s32 $0xFFFFE003, lr  }
0x1b: {  	s9 =	sadd.s32 $0xFFFFFEF7, lr;
	s5 =	simm.s32 $0xFFFFFFFF;
	p2 =	slt.u32 s8, $0xFFFFF086  }
0x1c: {  	p1 =	slt.u32 s9, $0xF7A;
	s5 =	simm.s32 @!p2 $0x0  }
0x1d: {  	s5 =	simm.s32 @p1 $0x1;
	p0 =	seq.s32 s7, s2  }
0x1e: {  	s7 =	smul.u32 @!p0 $0xF7A, s2;
	p2 =	seq.s32 @!p0 s5, $0x0  }
0x1f: {  	s9 =	smul.u32 $0xF7A, s1;
	s8 =	simm.s32 @!p0 $0x1BF5;
	p2 =	por !p2, p0  }
0x20: {  	[sflag:s8] =	ssyncset.s32 @!p0 $0xFFFFF086;
	s6 =	sadd.s32 @!p0 s3, s7;
	s7 =	simm.s32 @!p0 $0x108  }
0x21: {  	s3 =	sadd.s32 s3, s9;
	s6 =	sadd.s32 @!p0 $0x88, s6;
	s7 =	simm.s32 @p2 $0x1082  }
0x22: {  	[simem:s7], [sflag:s8] =	dma.local @!p0 [hbm:s6], $0xF7A  }
0x23: {  	s9 =	sor.u32 $0xD0000000, s2;
	s6 =	simm.s32 $0x108;
	_ =	swait.ge @!p0 [sflag:s8], $0x0  }
0x24: {  	s3 =	sadd.s32 $0x88, s3;
	s6 =	simm.s32 @!p1 $0x1082;
	[sflag:s4] =	ssyncset.s32 $0xFFFFF086  }
0x25: {  	[simem:s6], [sflag:s4] =	dma.local [hbm:s3], $0xF7A  }
0x26: {  	[smem:$0x3F99] =	sst s1;
	(tag) =	ssettag s2;
	_ =	strace s9  }
0x27: {  	s1 =	sld [smem:$0x3FA9]  }
0x28: {  	s2 =	sld [smem:$0x3FAA]  }
0x29: {  	s4 =	sld [smem:$0x3FAC]  }
0x2a: {  	p0 =	seq.s32 s5, $0x0;
	s5 =	sld [smem:$0x3FAD]  }
0x2b: {  	s6 =	sld [smem:$0x3FAE]  }
0x2c: {  	s7 =	sld [smem:$0x3FAF]  }
0x2d: {  	s3 =	simm.s32 $0x108;
	s8 =	sld [smem:$0x3FB0]  }
0x2e: {  	s3 =	simm.s32 @!p0 $0x1082;
	s9 =	sld [smem:$0x3FB1]  }
0x2f: {  	lr =	sadd.s32 s0, s3;
	s0 =	sld [smem:$0x3FA8]  }
0x30: {  	s3 =	sld [smem:$0x3FAB]  }
0x31: {  	[smem:$0x3FB4] =	sst s10  }
0x32: {  	s10 =	sld [smem:$0x3FB2];
	_ =	sdelay $0x3  }
0x33: {  	p0 =	seq.s32 s10, $0x1;
	s10 =	sld [smem:$0x3FB4];
	_ =	sdelay $0x3  }
0x34: {  	[smem:$0x3FB4] =	sst s10  }
0x35: {  	s10 =	sld [smem:$0x3FB3];
	_ =	sdelay $0x3  }
0x36: {  	p1 =	seq.s32 s10, $0x1;
	s10 =	sld [smem:$0x3FB4];
	_ =	sdelay $0x3  }
0x37: {  	[smem:$0x3FB4] =	sst s10  }
0x38: {  	s10 =	sld [smem:$0x3FB5]  }
0x39: {  	_ = 	snop;
	(pc) =	sbr.ind lr, $3  }
0x3a: {  	_ = 	snop  }
0x3b: {  	_ = 	snop  }
0x3c: {  	p2 =	seq.s32 s10, $0x1;
	s10 =	sld [smem:$0x3FB4]  }
0x3d: {  	_ =	shalt  }
0x3e: {  	_ =	shalt  }
0x3f: {  	_ =	shalt  }
0x40: {  	_ =	shalt  }
0x41: {  	_ =	shalt  }
0x42: {  	_ =	shalt  }
0x43: {  	_ =	shalt  }
0x44: {  	_ =	shalt  }
0x45: {  	_ =	shalt  }
0x46: {  	_ =	shalt  }
0x47: {  	_ =	shalt  }
0x48: {  	_ =	shalt  }
0x49: {  	_ =	shalt  }
0x4a: {  	_ =	shalt  }
0x4b: {  	_ =	shalt  }
0x4c: {  	_ =	shalt  }
0x4d: {  	_ =	shalt  }
0x4e: {  	_ =	shalt  }
0x4f: {  	_ =	shalt  }
0x50: {  	_ =	shalt  }
0x51: {  	_ =	shalt  }
0x52: {  	_ =	shalt  }
0x53: {  	_ =	shalt  }
0x54: {  	_ =	shalt  }
0x55: {  	_ =	shalt  }
0x56: {  	_ =	shalt  }
0x57: {  	_ =	shalt  }
0x58: {  	_ =	shalt  }
0x59: {  	_ =	shalt  }
0x5a: {  	_ =	shalt  }
0x5b: {  	_ =	shalt  }
0x5c: {  	_ =	shalt  }
0x5d: {  	_ =	shalt  }
0x5e: {  	_ =	shalt  }
0x5f: {  	_ =	shalt  }
0x60: {  	_ =	shalt  }
0x61: {  	_ =	shalt  }
0x62: {  	_ =	shalt  }
0x63: {  	_ =	shalt  }
0x64: {  	_ =	shalt  }
0x65: {  	_ =	shalt  }
0x66: {  	_ =	shalt  }
0x67: {  	_ =	shalt  }
0x68: {  	_ =	shalt  }
0x69: {  	_ =	shalt  }
0x6a: {  	_ =	shalt  }
0x6b: {  	_ =	shalt  }
0x6c: {  	_ =	shalt  }
0x6d: {  	_ =	shalt  }
0x6e: {  	_ =	shalt  }
0x6f: {  	_ =	shalt  }
0x70: {  	_ =	shalt  }
0x71: {  	_ =	shalt  }
0x72: {  	_ =	shalt  }
0x73: {  	_ =	shalt  }
0x74: {  	_ =	shalt  }
0x75: {  	_ =	shalt  }
0x76: {  	_ =	shalt  }
0x77: {  	_ =	shalt  }
0x78: {  	_ =	shalt  }
0x79: {  	_ =	shalt  }
0x7a: {  	_ =	shalt  }
0x7b: {  	_ =	shalt  }
0x7c: {  	_ =	shalt  }
0x7d: {  	_ =	shalt  }
0x7e: {  	_ =	shalt  }
0x7f: {  	_ =	shalt  }
0x80: {  	_ =	shalt  }
0x81: {  	_ =	shalt  }
0x82: {  	_ =	shalt  }
0x83: {  	_ =	shalt  }
0x84: {  	_ =	shalt  }
0x85: {  	_ =	shalt  }
0x86: {  	_ =	shalt  }
0x87: {  	_ =	shalt  }
.Lfunc_end0:
.L_simem_size_0:
called_computation_lowered:
.L_overlay_start_0:
0x88: {  	s2 =	sld [smem:$0x3FD9]  }
0x89: {  	s3 =	sld [smem:$0x3FFE];
	_ =	sdelay $0x1  }
0x8a: {  	s1 =	srdreg.scid  }
0x8b: {  	s0 =	sand.u32 $0x1, s1  }
0x8c: {  	s17 =	sshll.u32 s0, $0xA;
	s2 =	sadd.s32 s3, s2  }
0x8d: {  	s2 =	sadd.s32 s2, s17  }
0x8e: {  	[smem:$0x3FC0] =	sst s2  }
0x8f: {  	_ = 	snop  }
0x90: {  	s2 =	sld [smem:$0x3FD0];
	(tm) =	ssettm $0x1  }
0x91: {  	s18 =	sld [smem:$0x3FFB];
	_ =	sdelay $0x3  }
0x92: {  	_ =	strace s18  }
0x93: {  	s3 =	sld [smem:$0x3FFC];
	_ =	sdelay $0x3  }
0x94: {  	_ =	strace s3  }
0x95: {  	s3 =	sld [smem:$0x3FFD];
	_ =	sdelay $0x3  }
0x96: {  	_ =	strace s3  }
0x97: {  	_ =	strace $0x8FFFFFFF  }
0x98: {  	s19 =	sld [smem:$0x3FDB];
	_ =	sdelay $0x1  }
0x99: {  	s4 =	simm.s32 $_scs_section_size  }
0x9a: {  	s5 =	simm.s32 $_size__tile_overlayer_lowered;
	s6 =	simm.s32 $_tile_overlayer_lowered  }
0x9b: {  	s22 =	simm.s32 $0x1BFF;
	s21 =	sshll.u32 s6, $0x1;
	s3 =	sadd.s32 s4, s19  }
0x9c: {  	s7 =	simm.s32 $0x0;
	s20 =	sshll.u32 s5, $0x1;
	s5 =	sadd.s32 s21, s3  }
0x9d: {  	[timem:s7], [sflag:s22] =	dma.local [hbm:s5], s20  }
0x9e: {  	_ =	swait.ge [sflag:s22], s20  }
0x9f: {  	s4 =	ssub.s32 $0x0, s20;
	[sflag:s22] =	ssyncset.done $0x0  }
0xa0: {  	[sflag:s22] =	ssyncadd.s32 s4;
	_ =	sdelay $0x1  }
0xa1: {  	s23 =	simm.s32 $0x1B8B  }
0xa2: {  	_ =	swait.ge [sflag:s23], $0x1  }
0xa3: {  	[sflag:s23] =	ssyncset.done $0x0  }
0xa4: {  	s25 =	simm.s32 $0x1B8E;
	s24 =	sld [smem:$0x3FFE];
	[sflag:s23] =	ssyncadd.s32 $0xFFFFFFFF  }
0xa5: {  	s26 =	simm.s32 $execute0_lowered;
	[smem:$0x3FD2] =	sst s25  }
0xa6: {  	s5 =	sshll.u32 s26, $0x1;
	_ =	strace $0x80000046;
	[dreg:$0x1] =	wrdreg $0xFFFFFFFF  }
0xa7: {  	s28 =	simm.s32 $_size_execute0_lowered;
	s3 =	sadd.s32 s3, s5;
	[dreg:$0x0] =	wrdreg $0x0  }
0xa8: {  	s5 =	sshll.u32 s28, $0x1;
	[dreg:$0x2] =	wrdreg s3  }
0xa9: {  	[dreg:$0x3] =	wrdreg s5  }
0xaa: {  	[dreg:$0x4] =	wrdreg $0xC0  }
0xab: {  	_ =	task [dreg:s7], $0x5FFFF  }
0xac: {  	[dreg:$0x1] =	wrdreg $0xFFFFFFFF  }
0xad: {  	[dreg:$0x0] =	wrdreg $0x60  }
0xae: {  	[dreg:$0x2] =	wrdreg s24  }
0xaf: {  	[dreg:$0x3] =	wrdreg s2  }
0xb0: {  	[dreg:$0x4] =	wrdreg $0x1C000  }
0xb1: {  	[dreg:$0x5] =	wrdreg $0x9  }
0xb2: {  	_ =	task.clear_ibuf [dreg:s7], $0x6FFFF;
	_ =	strace $0x90000046  }
0xb3: {  	s29 =	simm.s32 $0x9;
	_ =	strace $0x80000048  }
0xb4: {  	_ =	swait.ge [sflag:s29], $0x1  }
0xb5: {  	[sflag:s29] =	ssyncadd.s32 $0xFFFFFFFF  }
0xb6: {  	_ =	strace $0x90000048  }
0xb7: {  	_ =	sfence  }
0xb8: {  	s30 =	sld [smem:$0x0];
	_ =	sdelay $0x2  }
0xb9: {  	s31 =	sshll.u32 s1, $0xD;
	s1 =	sshrl.u32 s1, $0x2  }
0xba: {  	s3 =	sand.u32 $0x4000, s31;
	s1 =	sadd.s32 s1, s30  }
0xbb: {  	s0 =	sor.u32 s3, s0;
	s1 =	sshll.u32 s1, $0x11  }
0xbc: {  	s0 =	sor.u32 s1, s0  }
0xbd: {  	s0 =	sadd.s32 $0x8F2B, s0  }
0xbe: {  	[sflag:s0] =	ssyncadd.remote.s32 $0x1  }
0xbf: {  	_ =	sfence.sel $0xFFFF  }
0xc0: {  	[dreg:$0x0] =	wrdreg $0xFFFFFFFF;
	(pc) =	sbr.abs _section_cstart, $3  }
0xc1: {  	[dreg:$0x1] =	wrdreg $0xFFFFFFFF  }
0xc2: {  	_ =	task.clear_ibuf [dreg:s7], $0x2FFFF;
	_ =	strace $0x9FFFFFFF  }
0xc3: {  	(tm) =	ssettm $0x7FFFFFFF  }
tec
execute0_lowered:
.L_overlay_start_1:
0x0: {  	(tag) =	ssettag $0x1  }
0x1: {  	s4 =	rddreg [dreg:$0x0]  }
0x2: {  	s1 =	srdreg.scid;
	s7 =	rddreg [dreg:$0x1]  }
0x3: {  	s0 =	stileid.u32;
	s2 =	rddreg [dreg:$0x2]  }
0x4: {  	s3 =	simm.s32 $0x0;
	s5 =	sand.u32 $0x1, s1;
	s1 =	rddreg [dreg:$0x3]  }
0x5: {  	s29 =	sshll.u32 s0, $0x1;
	[smem:$0x7FF] =	sst s3;
	s8 =	smul.u32 $0x2800, s0  }
0x6: {  	s31 =	sshll.u32 s0, $0x6;
	s6 =	sor.u32 s5, s29;
	s12 =	smul.u32 $0x5000, s5  }
0x7: {  	_ =	strace $0x80000047;
	s9 =	ssub.s32 $0x2, s5;
	s6 =	smul.u32 $0x280, s6  }
0x8: {  	s13 =	sshrl.u32 s8, $0x3;
	s11 =	sshrl.u32 s9, $0x1;
	s30 =	sadd.s32 s8, s2  }
0x9: {  	s8 =	simm.s32 $0x1;
	s10 =	sadd.s32 s13, s4;
	s9 =	ssub.s32 s9, s11  }
0xa: {  	s14 =	sadd.s32 s7, s12;
	s11 =	sshrl.u32 s30, $0x3;
	s12 =	simm.s32 $0x80  }
0xb: {  	s6 =	sadd.s32 s6, s4;
	s4 =	sadd.s32 $0x6C00, s4;
	s7 =	smax.u32 s9, $0x1  }
0xc: {  	s9 =	simm.s32 $0x1400;
	s13 =	sadd.s32 s13, s14;
	s14 =	simm.s32 $0x0  }
0xd: {  	s5 =	sadd.s32 $0x1C00, s6;
	s6 =	sadd.s32 $0x6E00, s10;
	s10 =	sor.u32 $0x1C01, s31  }
.LBB2_1:
0xe: {  	[tilespmem:s3], [sflag:$0x1] =	stream.linear.gather [hbm4b:s5+s3], $0x1400, $0x38;
	[tilespmem:$0x4400] =	vst v63  }
0xf: {  	_ =	swait.ge [sflag:s8], $0x1400  }
0x10: {  	[sflag:s8] =	ssyncset.done $0x0  }
0x11: {  	[sflag:s8] =	ssyncadd.s32 $0xFFFFEC00  }
0x12: {  	[tilespmem:s9], [sflag:$0x1] =	stream.linear.gather [hbm4b:s4+s3], $0x800, $0x38;
	[tilespmem:$0x4400] =	vst v63  }
0x13: {  	_ =	swait.ge [sflag:s8], $0x800  }
0x14: {  	[sflag:s8] =	ssyncset.done $0x0  }
0x15: {  	[sflag:s8] =	ssyncadd.s32 $0xFFFFF800  }
0x16: {  	[spmem:s11], [sflag:s10] =	dma.local [hbm:s6], $0x500  }
0x17: {  	_ =	swait.ge [sflag:s8], $0x500  }
0x18: {  	[sflag:s8] =	ssyncset.done $0x0  }
0x19: {  	[sflag:s8] =	ssyncadd.s32 $0xFFFFFB00  }
0x1a: {  	s15 =	simm.s32 $0x0;
	[bflag:$0x0] =	sbarrier.arrive $0xFFFF  }
0x1b: {  	[spmem:s2] =	stream.indirect.scatter.add.f32 [tilespmem:s9], [sflag:$0x1], $0x10, s15, s12, $0xb8;
	[tilespmem:$0x4400] =	vst v63  }
0x1c: {  	_ =	swait.ge [sflag:s8], $0x800  }
0x1d: {  	s15 =	simm.s32 $0x200;
	[sflag:s8] =	ssyncset.done $0x0  }
.LBB2_2:
0x1e: {  	s16 =	sshra.s32 s15, $0x2;
	[sflag:s8] =	ssyncadd.s32 $0xFFFFF800;
	p0 =	sne.s32 s15, $0x4E00  }
0x1f: {  	[spmem:s2] =	stream.indirect.scatter.add.f32 [tilespmem:s9], [sflag:$0x1], $0x10, s16, s12, $0xb8;
	[tilespmem:$0x4400] =	vst v63  }
.Ltmp0:
0x20: {  	_ = 	snop;
	(pc) =	sbr.rel @p0 .LBB2_2-.Ltmp0, $4  }
0x21: {  	_ = 	snop  }
0x22: {  	s15 =	sadd.s32 $0x200, s15  }
0x23: {  	_ =	swait.ge [sflag:s8], $0x800  }
0x24: {  	[sflag:s8] =	ssyncset.done $0x0  }
0x25: {  	s14 =	sadd.s32 $0x1, s14  }
0x26: {  	[sflag:s8] =	ssyncadd.s32 $0xFFFFF800;
	p0 =	sne.s32 s14, s7  }
.Ltmp1:
0x27: {  	[bflag:$0x0] =	sbarrier.arrive $0xFFFF;
	(pc) =	sbr.rel @p0 .LBB2_1-.Ltmp1, $4  }
0x28: {  	[hbm:s13], [sflag:s10] =	dma.local [spmem:s11], $0x500  }
0x29: {  	_ =	swait.ge [sflag:s8], $0x500  }
0x2a: {  	[sflag:s8] =	ssyncset.done $0x0  }
0x2b: {  	[sflag:s8] =	ssyncadd.s32 $0xFFFFFB00  }
0x2c: {  	_ =	sfence.sel $0x180000  }
0x2d: {  	[bflag:$0x0] =	sbarrier.arrive $0xFFFF  }
0x2e: {  	p0 =	sne.s32 s0, $0x0;
	_ =	strace $0x90000047  }
0x2f: {  	s0 =	sadd.s32 @!p0 $0x100000, s1;
	[bflag:$0x2] =	sbarrier.arrive $0xFFFF  }
0x30: {  	[sflag:s0] =	ssyncadd.tile.s32 @!p0 $0x1;
	_ =	shalt  }
.Lfunc_end2:
_tile_overlayer_lowered:
.L_overlay_start_2:
0x31: {  	(tag) =	ssettag $0x2  }
0x32: {  	s0 =	rddreg [dreg:$0x0];
	s2 =	stileid.u32  }
0x33: {  	s1 =	rddreg [dreg:$0x1];
	p0 =	sne.s32 s2, $0x0  }
0x34: {  	s3 =	rddreg [dreg:$0x2];
	[bflag:$0x3] =	sbarrier.arrive $0xFFFF;
	s2 =	simm.s32 @!p0 $0x1C01  }
0x35: {  	[timem:s3], [sflag:s2] =	dma.local @!p0 [hbm:s0], s1  }
0x36: {  	s0 =	simm.s32 @!p0 $0x1  }
0x37: {  	_ =	swait.ge @!p0 [sflag:s0], s1  }
0x38: {  	s1 =	ssub.s32 @!p0 $0x0, s1;
	[sflag:s0] =	ssyncset.done @!p0 $0x0  }
0x39: {  	[sflag:s0] =	ssyncadd.s32 @!p0 s1  }
0x3a: {  	[bflag:$0x3] =	sbarrier.arrive $0xFFFF  }
0x3b: {  	_ =	shalt  }

</sc_bundles>
